<compile_context>
chip_gen: v7x
topology: tpu7x:2x2x1
jax: 0.10.2.dev20260603
libtpu: 0.0.44.dev20260713+nightly
codegen_flags: <defaults>
</compile_context>

<pallas_src>
import functools

import jax
import jax.numpy as jnp
from jax import lax
from jax.experimental import pallas as pl
from jax.experimental.pallas import tpu as pltpu
from jax.experimental.pallas import tpu_sc as plsc

B = 16384
H = 50
D = 64
NC, NS = 2, 16
NW = NC * NS
B_PER_W = B // NW
NB = 8
NBUF = 4
N_CHUNKS = B_PER_W // NB
N_ITERS = N_CHUNKS // NBUF

_mesh = plsc.VectorSubcoreMesh(core_axis_name="c", subcore_axis_name="s")


@functools.partial(
    pl.kernel,
    out_type=jax.ShapeDtypeStruct((B, H, D), jnp.float32),
    mesh=_mesh,
    scratch_types=[
        pltpu.VMEM((B_PER_W, H), jnp.int32),
        *[pltpu.VMEM((NB, H, D), jnp.float32) for _ in range(NBUF)],
        *[pltpu.SemaphoreType.DMA for _ in range(NBUF)],
        *[pltpu.SemaphoreType.DMA for _ in range(NBUF)],
    ],
    compiler_params=pltpu.CompilerParams(use_tc_tiling_on_sc=False),
)
def _sc_gather(words_hbm, table_hbm, out_hbm, idx_v, *bufs_and_sems):
    rows = bufs_and_sems[:NBUF]
    gsem = bufs_and_sems[NBUF:2 * NBUF]
    osem = bufs_and_sems[2 * NBUF:]

    wid = lax.axis_index("s") * NC + lax.axis_index("c")
    base = wid * B_PER_W
    pltpu.sync_copy(words_hbm.at[pl.ds(base, B_PER_W)], idx_v)

    def fire_gathers(chunk, b):
        for j in range(NB):
            pltpu.async_copy(
                table_hbm.at[idx_v.at[chunk * NB + j]],
                rows[b].at[j],
                gsem[b],
            )

    def wait_chunk_gathers(b):
        pltpu.make_async_copy(out_hbm.at[pl.ds(0, NB)], rows[b], gsem[b]).wait()

    def wait_out(b):
        pltpu.make_async_copy(
            rows[b], out_hbm.at[pl.ds(base, NB)], osem[b]
        ).wait()

    for b in range(NBUF):
        fire_gathers(b, b)

    def slot_group(i, _):
        for b in range(NBUF):
            g = i * NBUF + b
            wait_chunk_gathers(b)
            pltpu.async_copy(
                rows[b], out_hbm.at[pl.ds(base + g * NB, NB)], osem[b]
            )
            t = g + NBUF - 2
            bt = (b + NBUF - 2) % NBUF

            @pl.when(jnp.logical_and(t >= NBUF, t < N_CHUNKS))
            def _refill():
                wait_out(bt)
                fire_gathers(t, bt)
        return ()

    lax.fori_loop(0, N_ITERS, slot_group, (), unroll=False)

    for b in range(NBUF):
        wait_out(b)


def kernel(words, table):
    return _sc_gather(words, table)

# --- scband reference (transcript-rebuilt; emitter-appended) ---
"""Pipeline reference for scband-embedding-dropout-68169720922708 (READ-ONLY COPY).

The authoritative reference and input builder live on the scoring server;
editing this copy changes nothing except your own understanding.
"""

import jax, jax.numpy as jnp
import numpy as np

VOCAB = 1000000
EMBED_DIM = 64
BATCH = 16384
HIST = 50


def setup_inputs(seed: int = 0) -> dict:
    key = jax.random.key(seed)
    k_idx, k_tab = jax.random.split(key)
    words = jax.random.randint(k_idx, (BATCH, HIST), 0, VOCAB, dtype=jnp.int32)
    table = jax.random.normal(k_tab, (VOCAB, EMBED_DIM), dtype=jnp.float32) * 0.02
    return {"words": words, "table": table}


def reference(words, table):
    # Eval-mode EmbeddingDropout: dropout mask is identity (training=False),
    # scale is None, padding_idx is None (-1 sentinel -> plain lookup),
    # so forward reduces to a faithful embedding gather.
    return jnp.take(table, words, axis=0)

if __name__ == "__main__":
    import jax
    _d = setup_inputs()
    print(jax.jit(kernel)(*tuple(_d.values())))

</pallas_src>

<mosaic_0001>
#map = affine_map<(d0, d1) -> (0, 0)>
#map1 = affine_map<(d0, d1) -> (0, 0, 0)>
module attributes {stable_mosaic.version = 14 : i64} {
  func.func @_sc_gather(%arg0: i32, %arg1: i32, %arg2: memref<16384x50xi32, #tpu.memory_space<hbm>>, %arg3: memref<1000000x64xf32, #tpu.memory_space<hbm>>, %arg4: memref<16384x50x64xf32, #tpu.memory_space<hbm>>, %arg5: memref<512x50xi32, #tpu.memory_space<vmem>>, %arg6: memref<8x50x64xf32, #tpu.memory_space<vmem>>, %arg7: memref<8x50x64xf32, #tpu.memory_space<vmem>>, %arg8: memref<8x50x64xf32, #tpu.memory_space<vmem>>, %arg9: memref<8x50x64xf32, #tpu.memory_space<vmem>>, %arg10: memref<!tpu.dma_semaphore, #tpu.memory_space<semaphore_mem>>, %arg11: memref<!tpu.dma_semaphore, #tpu.memory_space<semaphore_mem>>, %arg12: memref<!tpu.dma_semaphore, #tpu.memory_space<semaphore_mem>>, %arg13: memref<!tpu.dma_semaphore, #tpu.memory_space<semaphore_mem>>, %arg14: memref<!tpu.dma_semaphore, #tpu.memory_space<semaphore_mem>>, %arg15: memref<!tpu.dma_semaphore, #tpu.memory_space<semaphore_mem>>, %arg16: memref<!tpu.dma_semaphore, #tpu.memory_space<semaphore_mem>>, %arg17: memref<!tpu.dma_semaphore, #tpu.memory_space<semaphore_mem>>) attributes {dimension_semantics = [#tpu.dimension_semantics<core_parallel>, #tpu.dimension_semantics<subcore_parallel>], iteration_bounds = array<i64: 2, 16>, scalar_prefetch = 0 : i64, scratch_operands = 13 : i64, tpu.core_type = #tpu.core_type<sc_vector_subcore>, window_params = [{transform_indices = #map}, {transform_indices = #map}, {transform_indices = #map1}]} {
    %mul3A = arith.constant 2 : i32
    %mul3A_0 = arith.muli %arg1, %mul3A : i32
    %add3A = arith.addi %mul3A_0, %arg0 : i32
    %mul3A_1 = arith.constant 512 : i32
    %mul3A_2 = arith.muli %add3A, %mul3A_1 : i32
    "tpu.region"() ({
      %run_scoped3A = tpu.sem_alloc : memref<!tpu.dma_semaphore, #tpu.memory_space<semaphore_mem>>
      %dma_start3A_413 = arith.constant 0 : i32
      %dma_start3A_414 = tpu.memref_slice %arg2[%mul3A_2, %dma_start3A_413] : memref<16384x50xi32, #tpu.memory_space<hbm>> -> memref<512x50xi32, #tpu.memory_space<hbm>>
      %dma_start3A_415 = arith.constant 0 : i32
      %dma_start3A_416 = tpu.memref_slice %arg2[%mul3A_2, %dma_start3A_415] : memref<16384x50xi32, #tpu.memory_space<hbm>> -> memref<512x50xi32, #tpu.memory_space<hbm>>
      tpu.enqueue_dma source(%dma_start3A_416 : memref<512x50xi32, #tpu.memory_space<hbm>>) target(%arg5 : memref<512x50xi32, #tpu.memory_space<vmem>>) target_semaphore(%run_scoped3A : memref<!tpu.dma_semaphore, #tpu.memory_space<semaphore_mem>>)
      %dma_wait3A_417 = arith.constant 0 : i32
      %dma_wait3A_418 = tpu.memref_slice %arg2[%mul3A_2, %dma_wait3A_417] : memref<16384x50xi32, #tpu.memory_space<hbm>> -> memref<512x50xi32, #tpu.memory_space<hbm>>
      %dma_wait3A_419 = arith.constant 0 : i32
      %dma_wait3A_420 = tpu.memref_slice %arg2[%mul3A_2, %dma_wait3A_419] : memref<16384x50xi32, #tpu.memory_space<hbm>> -> memref<512x50xi32, #tpu.memory_space<hbm>>
      tpu.wait_dma2 semaphore(%run_scoped3A : memref<!tpu.dma_semaphore, #tpu.memory_space<semaphore_mem>>) src(%dma_wait3A_420 : memref<512x50xi32, #tpu.memory_space<hbm>>) dst(%arg5 : memref<512x50xi32, #tpu.memory_space<vmem>>)
      tpu.yield
    }) : () -> ()
    %dma_start3A = arith.constant 0 : i32
    %dma_start3A_3 = arith.constant 0 : i32
    %dma_start3A_4 = arith.constant 0 : i32
    %dma_start3A_5 = arith.constant 0 : i32
    %dma_start3A_6 = tpu.memref_slice %arg6[%dma_start3A_3, %dma_start3A_4, %dma_start3A_5] : memref<8x50x64xf32, #tpu.memory_space<vmem>> -> memref<1x50x64xf32, #tpu.memory_space<vmem>>
    %dma_start3A_7 = tpu.memref_squeeze %dma_start3A_6 : memref<1x50x64xf32, #tpu.memory_space<vmem>> -> memref<50x64xf32, #tpu.memory_space<vmem>>
    %dma_start3A_8 = arith.constant 0 : i32
    %dma_start3A_9 = tpu.memref_slice %arg5[%dma_start3A, %dma_start3A_8] : memref<512x50xi32, #tpu.memory_space<vmem>> -> memref<1x50xi32, #tpu.memory_space<vmem>>
    %dma_start3A_10 = tpu.memref_squeeze %dma_start3A_9 : memref<1x50xi32, #tpu.memory_space<vmem>> -> memref<50xi32, #tpu.memory_space<vmem>>
    %dma_start3A_11 = arith.constant 0 : i32
    %dma_start3A_12 = arith.constant 0 : i32
    %dma_start3A_13 = tpu.memref_slice %arg3[%dma_start3A_11, %dma_start3A_12] : memref<1000000x64xf32, #tpu.memory_space<hbm>> -> memref<1000000x64xf32, #tpu.memory_space<hbm>>
    tpu.enqueue_indirect_dma source(%dma_start3A_13 : memref<1000000x64xf32, #tpu.memory_space<hbm>>) target(%dma_start3A_7 : memref<50x64xf32, #tpu.memory_space<vmem>>) offsets(%dma_start3A_10 : memref<50xi32, #tpu.memory_space<vmem>>) semaphore(%arg10 : memref<!tpu.dma_semaphore, #tpu.memory_space<semaphore_mem>>)
    %dma_start3A_14 = arith.constant 1 : i32
    %dma_start3A_15 = arith.constant 1 : i32
    %dma_start3A_16 = arith.constant 0 : i32
    %dma_start3A_17 = arith.constant 0 : i32
    %dma_start3A_18 = tpu.memref_slice %arg6[%dma_start3A_15, %dma_start3A_16, %dma_start3A_17] : memref<8x50x64xf32, #tpu.memory_space<vmem>> -> memref<1x50x64xf32, #tpu.memory_space<vmem>>
    %dma_start3A_19 = tpu.memref_squeeze %dma_start3A_18 : memref<1x50x64xf32, #tpu.memory_space<vmem>> -> memref<50x64xf32, #tpu.memory_space<vmem>>
    %dma_start3A_20 = arith.constant 0 : i32
    %dma_start3A_21 = tpu.memref_slice %arg5[%dma_start3A_14, %dma_start3A_20] : memref<512x50xi32, #tpu.memory_space<vmem>> -> memref<1x50xi32, #tpu.memory_space<vmem>>
    %dma_start3A_22 = tpu.memref_squeeze %dma_start3A_21 : memref<1x50xi32, #tpu.memory_space<vmem>> -> memref<50xi32, #tpu.memory_space<vmem>>
    %dma_start3A_23 = arith.constant 0 : i32
    %dma_start3A_24 = arith.constant 0 : i32
    %dma_start3A_25 = tpu.memref_slice %arg3[%dma_start3A_23, %dma_start3A_24] : memref<1000000x64xf32, #tpu.memory_space<hbm>> -> memref<1000000x64xf32, #tpu.memory_space<hbm>>
    tpu.enqueue_indirect_dma source(%dma_start3A_25 : memref<1000000x64xf32, #tpu.memory_space<hbm>>) target(%dma_start3A_19 : memref<50x64xf32, #tpu.memory_space<vmem>>) offsets(%dma_start3A_22 : memref<50xi32, #tpu.memory_space<vmem>>) semaphore(%arg10 : memref<!tpu.dma_semaphore, #tpu.memory_space<semaphore_mem>>)
    %dma_start3A_26 = arith.constant 2 : i32
    %dma_start3A_27 = arith.constant 2 : i32
    %dma_start3A_28 = arith.constant 0 : i32
    %dma_start3A_29 = arith.constant 0 : i32
    %dma_start3A_30 = tpu.memref_slice %arg6[%dma_start3A_27, %dma_start3A_28, %dma_start3A_29] : memref<8x50x64xf32, #tpu.memory_space<vmem>> -> memref<1x50x64xf32, #tpu.memory_space<vmem>>
    %dma_start3A_31 = tpu.memref_squeeze %dma_start3A_30 : memref<1x50x64xf32, #tpu.memory_space<vmem>> -> memref<50x64xf32, #tpu.memory_space<vmem>>
    %dma_start3A_32 = arith.constant 0 : i32
    %dma_start3A_33 = tpu.memref_slice %arg5[%dma_start3A_26, %dma_start3A_32] : memref<512x50xi32, #tpu.memory_space<vmem>> -> memref<1x50xi32, #tpu.memory_space<vmem>>
    %dma_start3A_34 = tpu.memref_squeeze %dma_start3A_33 : memref<1x50xi32, #tpu.memory_space<vmem>> -> memref<50xi32, #tpu.memory_space<vmem>>
    %dma_start3A_35 = arith.constant 0 : i32
    %dma_start3A_36 = arith.constant 0 : i32
    %dma_start3A_37 = tpu.memref_slice %arg3[%dma_start3A_35, %dma_start3A_36] : memref<1000000x64xf32, #tpu.memory_space<hbm>> -> memref<1000000x64xf32, #tpu.memory_space<hbm>>
    tpu.enqueue_indirect_dma source(%dma_start3A_37 : memref<1000000x64xf32, #tpu.memory_space<hbm>>) target(%dma_start3A_31 : memref<50x64xf32, #tpu.memory_space<vmem>>) offsets(%dma_start3A_34 : memref<50xi32, #tpu.memory_space<vmem>>) semaphore(%arg10 : memref<!tpu.dma_semaphore, #tpu.memory_space<semaphore_mem>>)
    %dma_start3A_38 = arith.constant 3 : i32
    %dma_start3A_39 = arith.constant 3 : i32
    %dma_start3A_40 = arith.constant 0 : i32
    %dma_start3A_41 = arith.constant 0 : i32
    %dma_start3A_42 = tpu.memref_slice %arg6[%dma_start3A_39, %dma_start3A_40, %dma_start3A_41] : memref<8x50x64xf32, #tpu.memory_space<vmem>> -> memref<1x50x64xf32, #tpu.memory_space<vmem>>
    %dma_start3A_43 = tpu.memref_squeeze %dma_start3A_42 : memref<1x50x64xf32, #tpu.memory_space<vmem>> -> memref<50x64xf32, #tpu.memory_space<vmem>>
    %dma_start3A_44 = arith.constant 0 : i32
    %dma_start3A_45 = tpu.memref_slice %arg5[%dma_start3A_38, %dma_start3A_44] : memref<512x50xi32, #tpu.memory_space<vmem>> -> memref<1x50xi32, #tpu.memory_space<vmem>>
    %dma_start3A_46 = tpu.memref_squeeze %dma_start3A_45 : memref<1x50xi32, #tpu.memory_space<vmem>> -> memref<50xi32, #tpu.memory_space<vmem>>
    %dma_start3A_47 = arith.constant 0 : i32
    %dma_start3A_48 = arith.constant 0 : i32
    %dma_start3A_49 = tpu.memref_slice %arg3[%dma_start3A_47, %dma_start3A_48] : memref<1000000x64xf32, #tpu.memory_space<hbm>> -> memref<1000000x64xf32, #tpu.memory_space<hbm>>
    tpu.enqueue_indirect_dma source(%dma_start3A_49 : memref<1000000x64xf32, #tpu.memory_space<hbm>>) target(%dma_start3A_43 : memref<50x64xf32, #tpu.memory_space<vmem>>) offsets(%dma_start3A_46 : memref<50xi32, #tpu.memory_space<vmem>>) semaphore(%arg10 : memref<!tpu.dma_semaphore, #tpu.memory_space<semaphore_mem>>)
    %dma_start3A_50 = arith.constant 4 : i32
    %dma_start3A_51 = arith.constant 4 : i32
    %dma_start3A_52 = arith.constant 0 : i32
    %dma_start3A_53 = arith.constant 0 : i32
    %dma_start3A_54 = tpu.memref_slice %arg6[%dma_start3A_51, %dma_start3A_52, %dma_start3A_53] : memref<8x50x64xf32, #tpu.memory_space<vmem>> -> memref<1x50x64xf32, #tpu.memory_space<vmem>>
    %dma_start3A_55 = tpu.memref_squeeze %dma_start3A_54 : memref<1x50x64xf32, #tpu.memory_space<vmem>> -> memref<50x64xf32, #tpu.memory_space<vmem>>
    %dma_start3A_56 = arith.constant 0 : i32
    %dma_start3A_57 = tpu.memref_slice %arg5[%dma_start3A_50, %dma_start3A_56] : memref<512x50xi32, #tpu.memory_space<vmem>> -> memref<1x50xi32, #tpu.memory_space<vmem>>
    %dma_start3A_58 = tpu.memref_squeeze %dma_start3A_57 : memref<1x50xi32, #tpu.memory_space<vmem>> -> memref<50xi32, #tpu.memory_space<vmem>>
    %dma_start3A_59 = arith.constant 0 : i32
    %dma_start3A_60 = arith.constant 0 : i32
    %dma_start3A_61 = tpu.memref_slice %arg3[%dma_start3A_59, %dma_start3A_60] : memref<1000000x64xf32, #tpu.memory_space<hbm>> -> memref<1000000x64xf32, #tpu.memory_space<hbm>>
    tpu.enqueue_indirect_dma source(%dma_start3A_61 : memref<1000000x64xf32, #tpu.memory_space<hbm>>) target(%dma_start3A_55 : memref<50x64xf32, #tpu.memory_space<vmem>>) offsets(%dma_start3A_58 : memref<50xi32, #tpu.memory_space<vmem>>) semaphore(%arg10 : memref<!tpu.dma_semaphore, #tpu.memory_space<semaphore_mem>>)
    %dma_start3A_62 = arith.constant 5 : i32
    %dma_start3A_63 = arith.constant 5 : i32
    %dma_start3A_64 = arith.constant 0 : i32
    %dma_start3A_65 = arith.constant 0 : i32
    %dma_start3A_66 = tpu.memref_slice %arg6[%dma_start3A_63, %dma_start3A_64, %dma_start3A_65] : memref<8x50x64xf32, #tpu.memory_space<vmem>> -> memref<1x50x64xf32, #tpu.memory_space<vmem>>
    %dma_start3A_67 = tpu.memref_squeeze %dma_start3A_66 : memref<1x50x64xf32, #tpu.memory_space<vmem>> -> memref<50x64xf32, #tpu.memory_space<vmem>>
    %dma_start3A_68 = arith.constant 0 : i32
    %dma_start3A_69 = tpu.memref_slice %arg5[%dma_start3A_62, %dma_start3A_68] : memref<512x50xi32, #tpu.memory_space<vmem>> -> memref<1x50xi32, #tpu.memory_space<vmem>>
    %dma_start3A_70 = tpu.memref_squeeze %dma_start3A_69 : memref<1x50xi32, #tpu.memory_space<vmem>> -> memref<50xi32, #tpu.memory_space<vmem>>
    %dma_start3A_71 = arith.constant 0 : i32
    %dma_start3A_72 = arith.constant 0 : i32
    %dma_start3A_73 = tpu.memref_slice %arg3[%dma_start3A_71, %dma_start3A_72] : memref<1000000x64xf32, #tpu.memory_space<hbm>> -> memref<1000000x64xf32, #tpu.memory_space<hbm>>
    tpu.enqueue_indirect_dma source(%dma_start3A_73 : memref<1000000x64xf32, #tpu.memory_space<hbm>>) target(%dma_start3A_67 : memref<50x64xf32, #tpu.memory_space<vmem>>) offsets(%dma_start3A_70 : memref<50xi32, #tpu.memory_space<vmem>>) semaphore(%arg10 : memref<!tpu.dma_semaphore, #tpu.memory_space<semaphore_mem>>)
    %dma_start3A_74 = arith.constant 6 : i32
    %dma_start3A_75 = arith.constant 6 : i32
    %dma_start3A_76 = arith.constant 0 : i32
    %dma_start3A_77 = arith.constant 0 : i32
    %dma_start3A_78 = tpu.memref_slice %arg6[%dma_start3A_75, %dma_start3A_76, %dma_start3A_77] : memref<8x50x64xf32, #tpu.memory_space<vmem>> -> memref<1x50x64xf32, #tpu.memory_space<vmem>>
    %dma_start3A_79 = tpu.memref_squeeze %dma_start3A_78 : memref<1x50x64xf32, #tpu.memory_space<vmem>> -> memref<50x64xf32, #tpu.memory_space<vmem>>
    %dma_start3A_80 = arith.constant 0 : i32
    %dma_start3A_81 = tpu.memref_slice %arg5[%dma_start3A_74, %dma_start3A_80] : memref<512x50xi32, #tpu.memory_space<vmem>> -> memref<1x50xi32, #tpu.memory_space<vmem>>
    %dma_start3A_82 = tpu.memref_squeeze %dma_start3A_81 : memref<1x50xi32, #tpu.memory_space<vmem>> -> memref<50xi32, #tpu.memory_space<vmem>>
    %dma_start3A_83 = arith.constant 0 : i32
    %dma_start3A_84 = arith.constant 0 : i32
    %dma_start3A_85 = tpu.memref_slice %arg3[%dma_start3A_83, %dma_start3A_84] : memref<1000000x64xf32, #tpu.memory_space<hbm>> -> memref<1000000x64xf32, #tpu.memory_space<hbm>>
    tpu.enqueue_indirect_dma source(%dma_start3A_85 : memref<1000000x64xf32, #tpu.memory_space<hbm>>) target(%dma_start3A_79 : memref<50x64xf32, #tpu.memory_space<vmem>>) offsets(%dma_start3A_82 : memref<50xi32, #tpu.memory_space<vmem>>) semaphore(%arg10 : memref<!tpu.dma_semaphore, #tpu.memory_space<semaphore_mem>>)
    %dma_start3A_86 = arith.constant 7 : i32
    %dma_start3A_87 = arith.constant 7 : i32
    %dma_start3A_88 = arith.constant 0 : i32
    %dma_start3A_89 = arith.constant 0 : i32
    %dma_start3A_90 = tpu.memref_slice %arg6[%dma_start3A_87, %dma_start3A_88, %dma_start3A_89] : memref<8x50x64xf32, #tpu.memory_space<vmem>> -> memref<1x50x64xf32, #tpu.memory_space<vmem>>
    %dma_start3A_91 = tpu.memref_squeeze %dma_start3A_90 : memref<1x50x64xf32, #tpu.memory_space<vmem>> -> memref<50x64xf32, #tpu.memory_space<vmem>>
    %dma_start3A_92 = arith.constant 0 : i32
    %dma_start3A_93 = tpu.memref_slice %arg5[%dma_start3A_86, %dma_start3A_92] : memref<512x50xi32, #tpu.memory_space<vmem>> -> memref<1x50xi32, #tpu.memory_space<vmem>>
    %dma_start3A_94 = tpu.memref_squeeze %dma_start3A_93 : memref<1x50xi32, #tpu.memory_space<vmem>> -> memref<50xi32, #tpu.memory_space<vmem>>
    %dma_start3A_95 = arith.constant 0 : i32
    %dma_start3A_96 = arith.constant 0 : i32
    %dma_start3A_97 = tpu.memref_slice %arg3[%dma_start3A_95, %dma_start3A_96] : memref<1000000x64xf32, #tpu.memory_space<hbm>> -> memref<1000000x64xf32, #tpu.memory_space<hbm>>
    tpu.enqueue_indirect_dma source(%dma_start3A_97 : memref<1000000x64xf32, #tpu.memory_space<hbm>>) target(%dma_start3A_91 : memref<50x64xf32, #tpu.memory_space<vmem>>) offsets(%dma_start3A_94 : memref<50xi32, #tpu.memory_space<vmem>>) semaphore(%arg10 : memref<!tpu.dma_semaphore, #tpu.memory_space<semaphore_mem>>)
    %dma_start3A_98 = arith.constant 8 : i32
    %dma_start3A_99 = arith.constant 0 : i32
    %dma_start3A_100 = arith.constant 0 : i32
    %dma_start3A_101 = arith.constant 0 : i32
    %dma_start3A_102 = tpu.memref_slice %arg7[%dma_start3A_99, %dma_start3A_100, %dma_start3A_101] : memref<8x50x64xf32, #tpu.memory_space<vmem>> -> memref<1x50x64xf32, #tpu.memory_space<vmem>>
    %dma_start3A_103 = tpu.memref_squeeze %dma_start3A_102 : memref<1x50x64xf32, #tpu.memory_space<vmem>> -> memref<50x64xf32, #tpu.memory_space<vmem>>
    %dma_start3A_104 = arith.constant 0 : i32
    %dma_start3A_105 = tpu.memref_slice %arg5[%dma_start3A_98, %dma_start3A_104] : memref<512x50xi32, #tpu.memory_space<vmem>> -> memref<1x50xi32, #tpu.memory_space<vmem>>
    %dma_start3A_106 = tpu.memref_squeeze %dma_start3A_105 : memref<1x50xi32, #tpu.memory_space<vmem>> -> memref<50xi32, #tpu.memory_space<vmem>>
    %dma_start3A_107 = arith.constant 0 : i32
    %dma_start3A_108 = arith.constant 0 : i32
    %dma_start3A_109 = tpu.memref_slice %arg3[%dma_start3A_107, %dma_start3A_108] : memref<1000000x64xf32, #tpu.memory_space<hbm>> -> memref<1000000x64xf32, #tpu.memory_space<hbm>>
    tpu.enqueue_indirect_dma source(%dma_start3A_109 : memref<1000000x64xf32, #tpu.memory_space<hbm>>) target(%dma_start3A_103 : memref<50x64xf32, #tpu.memory_space<vmem>>) offsets(%dma_start3A_106 : memref<50xi32, #tpu.memory_space<vmem>>) semaphore(%arg11 : memref<!tpu.dma_semaphore, #tpu.memory_space<semaphore_mem>>)
    %dma_start3A_110 = arith.constant 9 : i32
    %dma_start3A_111 = arith.constant 1 : i32
    %dma_start3A_112 = arith.constant 0 : i32
    %dma_start3A_113 = arith.constant 0 : i32
    %dma_start3A_114 = tpu.memref_slice %arg7[%dma_start3A_111, %dma_start3A_112, %dma_start3A_113] : memref<8x50x64xf32, #tpu.memory_space<vmem>> -> memref<1x50x64xf32, #tpu.memory_space<vmem>>
    %dma_start3A_115 = tpu.memref_squeeze %dma_start3A_114 : memref<1x50x64xf32, #tpu.memory_space<vmem>> -> memref<50x64xf32, #tpu.memory_space<vmem>>
    %dma_start3A_116 = arith.constant 0 : i32
    %dma_start3A_117 = tpu.memref_slice %arg5[%dma_start3A_110, %dma_start3A_116] : memref<512x50xi32, #tpu.memory_space<vmem>> -> memref<1x50xi32, #tpu.memory_space<vmem>>
    %dma_start3A_118 = tpu.memref_squeeze %dma_start3A_117 : memref<1x50xi32, #tpu.memory_space<vmem>> -> memref<50xi32, #tpu.memory_space<vmem>>
    %dma_start3A_119 = arith.constant 0 : i32
    %dma_start3A_120 = arith.constant 0 : i32
    %dma_start3A_121 = tpu.memref_slice %arg3[%dma_start3A_119, %dma_start3A_120] : memref<1000000x64xf32, #tpu.memory_space<hbm>> -> memref<1000000x64xf32, #tpu.memory_space<hbm>>
    tpu.enqueue_indirect_dma source(%dma_start3A_121 : memref<1000000x64xf32, #tpu.memory_space<hbm>>) target(%dma_start3A_115 : memref<50x64xf32, #tpu.memory_space<vmem>>) offsets(%dma_start3A_118 : memref<50xi32, #tpu.memory_space<vmem>>) semaphore(%arg11 : memref<!tpu.dma_semaphore, #tpu.memory_space<semaphore_mem>>)
    %dma_start3A_122 = arith.constant 10 : i32
    %dma_start3A_123 = arith.constant 2 : i32
    %dma_start3A_124 = arith.constant 0 : i32
    %dma_start3A_125 = arith.constant 0 : i32
    %dma_start3A_126 = tpu.memref_slice %arg7[%dma_start3A_123, %dma_start3A_124, %dma_start3A_125] : memref<8x50x64xf32, #tpu.memory_space<vmem>> -> memref<1x50x64xf32, #tpu.memory_space<vmem>>
    %dma_start3A_127 = tpu.memref_squeeze %dma_start3A_126 : memref<1x50x64xf32, #tpu.memory_space<vmem>> -> memref<50x64xf32, #tpu.memory_space<vmem>>
    %dma_start3A_128 = arith.constant 0 : i32
    %dma_start3A_129 = tpu.memref_slice %arg5[%dma_start3A_122, %dma_start3A_128] : memref<512x50xi32, #tpu.memory_space<vmem>> -> memref<1x50xi32, #tpu.memory_space<vmem>>
    %dma_start3A_130 = tpu.memref_squeeze %dma_start3A_129 : memref<1x50xi32, #tpu.memory_space<vmem>> -> memref<50xi32, #tpu.memory_space<vmem>>
    %dma_start3A_131 = arith.constant 0 : i32
    %dma_start3A_132 = arith.constant 0 : i32
    %dma_start3A_133 = tpu.memref_slice %arg3[%dma_start3A_131, %dma_start3A_132] : memref<1000000x64xf32, #tpu.memory_space<hbm>> -> memref<1000000x64xf32, #tpu.memory_space<hbm>>
    tpu.enqueue_indirect_dma source(%dma_start3A_133 : memref<1000000x64xf32, #tpu.memory_space<hbm>>) target(%dma_start3A_127 : memref<50x64xf32, #tpu.memory_space<vmem>>) offsets(%dma_start3A_130 : memref<50xi32, #tpu.memory_space<vmem>>) semaphore(%arg11 : memref<!tpu.dma_semaphore, #tpu.memory_space<semaphore_mem>>)
    %dma_start3A_134 = arith.constant 11 : i32
    %dma_start3A_135 = arith.constant 3 : i32
    %dma_start3A_136 = arith.constant 0 : i32
    %dma_start3A_137 = arith.constant 0 : i32
    %dma_start3A_138 = tpu.memref_slice %arg7[%dma_start3A_135, %dma_start3A_136, %dma_start3A_137] : memref<8x50x64xf32, #tpu.memory_space<vmem>> -> memref<1x50x64xf32, #tpu.memory_space<vmem>>
    %dma_start3A_139 = tpu.memref_squeeze %dma_start3A_138 : memref<1x50x64xf32, #tpu.memory_space<vmem>> -> memref<50x64xf32, #tpu.memory_space<vmem>>
    %dma_start3A_140 = arith.constant 0 : i32
    %dma_start3A_141 = tpu.memref_slice %arg5[%dma_start3A_134, %dma_start3A_140] : memref<512x50xi32, #tpu.memory_space<vmem>> -> memref<1x50xi32, #tpu.memory_space<vmem>>
    %dma_start3A_142 = tpu.memref_squeeze %dma_start3A_141 : memref<1x50xi32, #tpu.memory_space<vmem>> -> memref<50xi32, #tpu.memory_space<vmem>>
    %dma_start3A_143 = arith.constant 0 : i32
    %dma_start3A_144 = arith.constant 0 : i32
    %dma_start3A_145 = tpu.memref_slice %arg3[%dma_start3A_143, %dma_start3A_144] : memref<1000000x64xf32, #tpu.memory_space<hbm>> -> memref<1000000x64xf32, #tpu.memory_space<hbm>>
    tpu.enqueue_indirect_dma source(%dma_start3A_145 : memref<1000000x64xf32, #tpu.memory_space<hbm>>) target(%dma_start3A_139 : memref<50x64xf32, #tpu.memory_space<vmem>>) offsets(%dma_start3A_142 : memref<50xi32, #tpu.memory_space<vmem>>) semaphore(%arg11 : memref<!tpu.dma_semaphore, #tpu.memory_space<semaphore_mem>>)
    %dma_start3A_146 = arith.constant 12 : i32
    %dma_start3A_147 = arith.constant 4 : i32
    %dma_start3A_148 = arith.constant 0 : i32
    %dma_start3A_149 = arith.constant 0 : i32
    %dma_start3A_150 = tpu.memref_slice %arg7[%dma_start3A_147, %dma_start3A_148, %dma_start3A_149] : memref<8x50x64xf32, #tpu.memory_space<vmem>> -> memref<1x50x64xf32, #tpu.memory_space<vmem>>
    %dma_start3A_151 = tpu.memref_squeeze %dma_start3A_150 : memref<1x50x64xf32, #tpu.memory_space<vmem>> -> memref<50x64xf32, #tpu.memory_space<vmem>>
    %dma_start3A_152 = arith.constant 0 : i32
    %dma_start3A_153 = tpu.memref_slice %arg5[%dma_start3A_146, %dma_start3A_152] : memref<512x50xi32, #tpu.memory_space<vmem>> -> memref<1x50xi32, #tpu.memory_space<vmem>>
    %dma_start3A_154 = tpu.memref_squeeze %dma_start3A_153 : memref<1x50xi32, #tpu.memory_space<vmem>> -> memref<50xi32, #tpu.memory_space<vmem>>
    %dma_start3A_155 = arith.constant 0 : i32
    %dma_start3A_156 = arith.constant 0 : i32
    %dma_start3A_157 = tpu.memref_slice %arg3[%dma_start3A_155, %dma_start3A_156] : memref<1000000x64xf32, #tpu.memory_space<hbm>> -> memref<1000000x64xf32, #tpu.memory_space<hbm>>
    tpu.enqueue_indirect_dma source(%dma_start3A_157 : memref<1000000x64xf32, #tpu.memory_space<hbm>>) target(%dma_start3A_151 : memref<50x64xf32, #tpu.memory_space<vmem>>) offsets(%dma_start3A_154 : memref<50xi32, #tpu.memory_space<vmem>>) semaphore(%arg11 : memref<!tpu.dma_semaphore, #tpu.memory_space<semaphore_mem>>)
    %dma_start3A_158 = arith.constant 13 : i32
    %dma_start3A_159 = arith.constant 5 : i32
    %dma_start3A_160 = arith.constant 0 : i32
    %dma_start3A_161 = arith.constant 0 : i32
    %dma_start3A_162 = tpu.memref_slice %arg7[%dma_start3A_159, %dma_start3A_160, %dma_start3A_161] : memref<8x50x64xf32, #tpu.memory_space<vmem>> -> memref<1x50x64xf32, #tpu.memory_space<vmem>>
    %dma_start3A_163 = tpu.memref_squeeze %dma_start3A_162 : memref<1x50x64xf32, #tpu.memory_space<vmem>> -> memref<50x64xf32, #tpu.memory_space<vmem>>
    %dma_start3A_164 = arith.constant 0 : i32
    %dma_start3A_165 = tpu.memref_slice %arg5[%dma_start3A_158, %dma_start3A_164] : memref<512x50xi32, #tpu.memory_space<vmem>> -> memref<1x50xi32, #tpu.memory_space<vmem>>
    %dma_start3A_166 = tpu.memref_squeeze %dma_start3A_165 : memref<1x50xi32, #tpu.memory_space<vmem>> -> memref<50xi32, #tpu.memory_space<vmem>>
    %dma_start3A_167 = arith.constant 0 : i32
    %dma_start3A_168 = arith.constant 0 : i32
    %dma_start3A_169 = tpu.memref_slice %arg3[%dma_start3A_167, %dma_start3A_168] : memref<1000000x64xf32, #tpu.memory_space<hbm>> -> memref<1000000x64xf32, #tpu.memory_space<hbm>>
    tpu.enqueue_indirect_dma source(%dma_start3A_169 : memref<1000000x64xf32, #tpu.memory_space<hbm>>) target(%dma_start3A_163 : memref<50x64xf32, #tpu.memory_space<vmem>>) offsets(%dma_start3A_166 : memref<50xi32, #tpu.memory_space<vmem>>) semaphore(%arg11 : memref<!tpu.dma_semaphore, #tpu.memory_space<semaphore_mem>>)
    %dma_start3A_170 = arith.constant 14 : i32
    %dma_start3A_171 = arith.constant 6 : i32
    %dma_start3A_172 = arith.constant 0 : i32
    %dma_start3A_173 = arith.constant 0 : i32
    %dma_start3A_174 = tpu.memref_slice %arg7[%dma_start3A_171, %dma_start3A_172, %dma_start3A_173] : memref<8x50x64xf32, #tpu.memory_space<vmem>> -> memref<1x50x64xf32, #tpu.memory_space<vmem>>
    %dma_start3A_175 = tpu.memref_squeeze %dma_start3A_174 : memref<1x50x64xf32, #tpu.memory_space<vmem>> -> memref<50x64xf32, #tpu.memory_space<vmem>>
    %dma_start3A_176 = arith.constant 0 : i32
    %dma_start3A_177 = tpu.memref_slice %arg5[%dma_start3A_170, %dma_start3A_176] : memref<512x50xi32, #tpu.memory_space<vmem>> -> memref<1x50xi32, #tpu.memory_space<vmem>>
    %dma_start3A_178 = tpu.memref_squeeze %dma_start3A_177 : memref<1x50xi32, #tpu.memory_space<vmem>> -> memref<50xi32, #tpu.memory_space<vmem>>
    %dma_start3A_179 = arith.constant 0 : i32
    %dma_start3A_180 = arith.constant 0 : i32
    %dma_start3A_181 = tpu.memref_slice %arg3[%dma_start3A_179, %dma_start3A_180] : memref<1000000x64xf32, #tpu.memory_space<hbm>> -> memref<1000000x64xf32, #tpu.memory_space<hbm>>
    tpu.enqueue_indirect_dma source(%dma_start3A_181 : memref<1000000x64xf32, #tpu.memory_space<hbm>>) target(%dma_start3A_175 : memref<50x64xf32, #tpu.memory_space<vmem>>) offsets(%dma_start3A_178 : memref<50xi32, #tpu.memory_space<vmem>>) semaphore(%arg11 : memref<!tpu.dma_semaphore, #tpu.memory_space<semaphore_mem>>)
    %dma_start3A_182 = arith.constant 15 : i32
    %dma_start3A_183 = arith.constant 7 : i32
    %dma_start3A_184 = arith.constant 0 : i32
    %dma_start3A_185 = arith.constant 0 : i32
    %dma_start3A_186 = tpu.memref_slice %arg7[%dma_start3A_183, %dma_start3A_184, %dma_start3A_185] : memref<8x50x64xf32, #tpu.memory_space<vmem>> -> memref<1x50x64xf32, #tpu.memory_space<vmem>>
    %dma_start3A_187 = tpu.memref_squeeze %dma_start3A_186 : memref<1x50x64xf32, #tpu.memory_space<vmem>> -> memref<50x64xf32, #tpu.memory_space<vmem>>
    %dma_start3A_188 = arith.constant 0 : i32
    %dma_start3A_189 = tpu.memref_slice %arg5[%dma_start3A_182, %dma_start3A_188] : memref<512x50xi32, #tpu.memory_space<vmem>> -> memref<1x50xi32, #tpu.memory_space<vmem>>
    %dma_start3A_190 = tpu.memref_squeeze %dma_start3A_189 : memref<1x50xi32, #tpu.memory_space<vmem>> -> memref<50xi32, #tpu.memory_space<vmem>>
    %dma_start3A_191 = arith.constant 0 : i32
    %dma_start3A_192 = arith.constant 0 : i32
    %dma_start3A_193 = tpu.memref_slice %arg3[%dma_start3A_191, %dma_start3A_192] : memref<1000000x64xf32, #tpu.memory_space<hbm>> -> memref<1000000x64xf32, #tpu.memory_space<hbm>>
    tpu.enqueue_indirect_dma source(%dma_start3A_193 : memref<1000000x64xf32, #tpu.memory_space<hbm>>) target(%dma_start3A_187 : memref<50x64xf32, #tpu.memory_space<vmem>>) offsets(%dma_start3A_190 : memref<50xi32, #tpu.memory_space<vmem>>) semaphore(%arg11 : memref<!tpu.dma_semaphore, #tpu.memory_space<semaphore_mem>>)
    %dma_start3A_194 = arith.constant 16 : i32
    %dma_start3A_195 = arith.constant 0 : i32
    %dma_start3A_196 = arith.constant 0 : i32
    %dma_start3A_197 = arith.constant 0 : i32
    %dma_start3A_198 = tpu.memref_slice %arg8[%dma_start3A_195, %dma_start3A_196, %dma_start3A_197] : memref<8x50x64xf32, #tpu.memory_space<vmem>> -> memref<1x50x64xf32, #tpu.memory_space<vmem>>
    %dma_start3A_199 = tpu.memref_squeeze %dma_start3A_198 : memref<1x50x64xf32, #tpu.memory_space<vmem>> -> memref<50x64xf32, #tpu.memory_space<vmem>>
    %dma_start3A_200 = arith.constant 0 : i32
    %dma_start3A_201 = tpu.memref_slice %arg5[%dma_start3A_194, %dma_start3A_200] : memref<512x50xi32, #tpu.memory_space<vmem>> -> memref<1x50xi32, #tpu.memory_space<vmem>>
    %dma_start3A_202 = tpu.memref_squeeze %dma_start3A_201 : memref<1x50xi32, #tpu.memory_space<vmem>> -> memref<50xi32, #tpu.memory_space<vmem>>
    %dma_start3A_203 = arith.constant 0 : i32
    %dma_start3A_204 = arith.constant 0 : i32
    %dma_start3A_205 = tpu.memref_slice %arg3[%dma_start3A_203, %dma_start3A_204] : memref<1000000x64xf32, #tpu.memory_space<hbm>> -> memref<1000000x64xf32, #tpu.memory_space<hbm>>
    tpu.enqueue_indirect_dma source(%dma_start3A_205 : memref<1000000x64xf32, #tpu.memory_space<hbm>>) target(%dma_start3A_199 : memref<50x64xf32, #tpu.memory_space<vmem>>) offsets(%dma_start3A_202 : memref<50xi32, #tpu.memory_space<vmem>>) semaphore(%arg12 : memref<!tpu.dma_semaphore, #tpu.memory_space<semaphore_mem>>)
    %dma_start3A_206 = arith.constant 17 : i32
    %dma_start3A_207 = arith.constant 1 : i32
    %dma_start3A_208 = arith.constant 0 : i32
    %dma_start3A_209 = arith.constant 0 : i32
    %dma_start3A_210 = tpu.memref_slice %arg8[%dma_start3A_207, %dma_start3A_208, %dma_start3A_209] : memref<8x50x64xf32, #tpu.memory_space<vmem>> -> memref<1x50x64xf32, #tpu.memory_space<vmem>>
    %dma_start3A_211 = tpu.memref_squeeze %dma_start3A_210 : memref<1x50x64xf32, #tpu.memory_space<vmem>> -> memref<50x64xf32, #tpu.memory_space<vmem>>
    %dma_start3A_212 = arith.constant 0 : i32
    %dma_start3A_213 = tpu.memref_slice %arg5[%dma_start3A_206, %dma_start3A_212] : memref<512x50xi32, #tpu.memory_space<vmem>> -> memref<1x50xi32, #tpu.memory_space<vmem>>
    %dma_start3A_214 = tpu.memref_squeeze %dma_start3A_213 : memref<1x50xi32, #tpu.memory_space<vmem>> -> memref<50xi32, #tpu.memory_space<vmem>>
    %dma_start3A_215 = arith.constant 0 : i32
    %dma_start3A_216 = arith.constant 0 : i32
    %dma_start3A_217 = tpu.memref_slice %arg3[%dma_start3A_215, %dma_start3A_216] : memref<1000000x64xf32, #tpu.memory_space<hbm>> -> memref<1000000x64xf32, #tpu.memory_space<hbm>>
    tpu.enqueue_indirect_dma source(%dma_start3A_217 : memref<1000000x64xf32, #tpu.memory_space<hbm>>) target(%dma_start3A_211 : memref<50x64xf32, #tpu.memory_space<vmem>>) offsets(%dma_start3A_214 : memref<50xi32, #tpu.memory_space<vmem>>) semaphore(%arg12 : memref<!tpu.dma_semaphore, #tpu.memory_space<semaphore_mem>>)
    %dma_start3A_218 = arith.constant 18 : i32
    %dma_start3A_219 = arith.constant 2 : i32
    %dma_start3A_220 = arith.constant 0 : i32
    %dma_start3A_221 = arith.constant 0 : i32
    %dma_start3A_222 = tpu.memref_slice %arg8[%dma_start3A_219, %dma_start3A_220, %dma_start3A_221] : memref<8x50x64xf32, #tpu.memory_space<vmem>> -> memref<1x50x64xf32, #tpu.memory_space<vmem>>
    %dma_start3A_223 = tpu.memref_squeeze %dma_start3A_222 : memref<1x50x64xf32, #tpu.memory_space<vmem>> -> memref<50x64xf32, #tpu.memory_space<vmem>>
    %dma_start3A_224 = arith.constant 0 : i32
    %dma_start3A_225 = tpu.memref_slice %arg5[%dma_start3A_218, %dma_start3A_224] : memref<512x50xi32, #tpu.memory_space<vmem>> -> memref<1x50xi32, #tpu.memory_space<vmem>>
    %dma_start3A_226 = tpu.memref_squeeze %dma_start3A_225 : memref<1x50xi32, #tpu.memory_space<vmem>> -> memref<50xi32, #tpu.memory_space<vmem>>
    %dma_start3A_227 = arith.constant 0 : i32
    %dma_start3A_228 = arith.constant 0 : i32
    %dma_start3A_229 = tpu.memref_slice %arg3[%dma_start3A_227, %dma_start3A_228] : memref<1000000x64xf32, #tpu.memory_space<hbm>> -> memref<1000000x64xf32, #tpu.memory_space<hbm>>
    tpu.enqueue_indirect_dma source(%dma_start3A_229 : memref<1000000x64xf32, #tpu.memory_space<hbm>>) target(%dma_start3A_223 : memref<50x64xf32, #tpu.memory_space<vmem>>) offsets(%dma_start3A_226 : memref<50xi32, #tpu.memory_space<vmem>>) semaphore(%arg12 : memref<!tpu.dma_semaphore, #tpu.memory_space<semaphore_mem>>)
    %dma_start3A_230 = arith.constant 19 : i32
    %dma_start3A_231 = arith.constant 3 : i32
    %dma_start3A_232 = arith.constant 0 : i32
    %dma_start3A_233 = arith.constant 0 : i32
    %dma_start3A_234 = tpu.memref_slice %arg8[%dma_start3A_231, %dma_start3A_232, %dma_start3A_233] : memref<8x50x64xf32, #tpu.memory_space<vmem>> -> memref<1x50x64xf32, #tpu.memory_space<vmem>>
    %dma_start3A_235 = tpu.memref_squeeze %dma_start3A_234 : memref<1x50x64xf32, #tpu.memory_space<vmem>> -> memref<50x64xf32, #tpu.memory_space<vmem>>
    %dma_start3A_236 = arith.constant 0 : i32
    %dma_start3A_237 = tpu.memref_slice %arg5[%dma_start3A_230, %dma_start3A_236] : memref<512x50xi32, #tpu.memory_space<vmem>> -> memref<1x50xi32, #tpu.memory_space<vmem>>
    %dma_start3A_238 = tpu.memref_squeeze %dma_start3A_237 : memref<1x50xi32, #tpu.memory_space<vmem>> -> memref<50xi32, #tpu.memory_space<vmem>>
    %dma_start3A_239 = arith.constant 0 : i32
    %dma_start3A_240 = arith.constant 0 : i32
    %dma_start3A_241 = tpu.memref_slice %arg3[%dma_start3A_239, %dma_start3A_240] : memref<1000000x64xf32, #tpu.memory_space<hbm>> -> memref<1000000x64xf32, #tpu.memory_space<hbm>>
    tpu.enqueue_indirect_dma source(%dma_start3A_241 : memref<1000000x64xf32, #tpu.memory_space<hbm>>) target(%dma_start3A_235 : memref<50x64xf32, #tpu.memory_space<vmem>>) offsets(%dma_start3A_238 : memref<50xi32, #tpu.memory_space<vmem>>) semaphore(%arg12 : memref<!tpu.dma_semaphore, #tpu.memory_space<semaphore_mem>>)
    %dma_start3A_242 = arith.constant 20 : i32
    %dma_start3A_243 = arith.constant 4 : i32
    %dma_start3A_244 = arith.constant 0 : i32
    %dma_start3A_245 = arith.constant 0 : i32
    %dma_start3A_246 = tpu.memref_slice %arg8[%dma_start3A_243, %dma_start3A_244, %dma_start3A_245] : memref<8x50x64xf32, #tpu.memory_space<vmem>> -> memref<1x50x64xf32, #tpu.memory_space<vmem>>
    %dma_start3A_247 = tpu.memref_squeeze %dma_start3A_246 : memref<1x50x64xf32, #tpu.memory_space<vmem>> -> memref<50x64xf32, #tpu.memory_space<vmem>>
    %dma_start3A_248 = arith.constant 0 : i32
    %dma_start3A_249 = tpu.memref_slice %arg5[%dma_start3A_242, %dma_start3A_248] : memref<512x50xi32, #tpu.memory_space<vmem>> -> memref<1x50xi32, #tpu.memory_space<vmem>>
    %dma_start3A_250 = tpu.memref_squeeze %dma_start3A_249 : memref<1x50xi32, #tpu.memory_space<vmem>> -> memref<50xi32, #tpu.memory_space<vmem>>
    %dma_start3A_251 = arith.constant 0 : i32
    %dma_start3A_252 = arith.constant 0 : i32
    %dma_start3A_253 = tpu.memref_slice %arg3[%dma_start3A_251, %dma_start3A_252] : memref<1000000x64xf32, #tpu.memory_space<hbm>> -> memref<1000000x64xf32, #tpu.memory_space<hbm>>
    tpu.enqueue_indirect_dma source(%dma_start3A_253 : memref<1000000x64xf32, #tpu.memory_space<hbm>>) target(%dma_start3A_247 : memref<50x64xf32, #tpu.memory_space<vmem>>) offsets(%dma_start3A_250 : memref<50xi32, #tpu.memory_space<vmem>>) semaphore(%arg12 : memref<!tpu.dma_semaphore, #tpu.memory_space<semaphore_mem>>)
    %dma_start3A_254 = arith.constant 21 : i32
    %dma_start3A_255 = arith.constant 5 : i32
    %dma_start3A_256 = arith.constant 0 : i32
    %dma_start3A_257 = arith.constant 0 : i32
    %dma_start3A_258 = tpu.memref_slice %arg8[%dma_start3A_255, %dma_start3A_256, %dma_start3A_257] : memref<8x50x64xf32, #tpu.memory_space<vmem>> -> memref<1x50x64xf32, #tpu.memory_space<vmem>>
    %dma_start3A_259 = tpu.memref_squeeze %dma_start3A_258 : memref<1x50x64xf32, #tpu.memory_space<vmem>> -> memref<50x64xf32, #tpu.memory_space<vmem>>
    %dma_start3A_260 = arith.constant 0 : i32
    %dma_start3A_261 = tpu.memref_slice %arg5[%dma_start3A_254, %dma_start3A_260] : memref<512x50xi32, #tpu.memory_space<vmem>> -> memref<1x50xi32, #tpu.memory_space<vmem>>
    %dma_start3A_262 = tpu.memref_squeeze %dma_start3A_261 : memref<1x50xi32, #tpu.memory_space<vmem>> -> memref<50xi32, #tpu.memory_space<vmem>>
    %dma_start3A_263 = arith.constant 0 : i32
    %dma_start3A_264 = arith.constant 0 : i32
    %dma_start3A_265 = tpu.memref_slice %arg3[%dma_start3A_263, %dma_start3A_264] : memref<1000000x64xf32, #tpu.memory_space<hbm>> -> memref<1000000x64xf32, #tpu.memory_space<hbm>>
    tpu.enqueue_indirect_dma source(%dma_start3A_265 : memref<1000000x64xf32, #tpu.memory_space<hbm>>) target(%dma_start3A_259 : memref<50x64xf32, #tpu.memory_space<vmem>>) offsets(%dma_start3A_262 : memref<50xi32, #tpu.memory_space<vmem>>) semaphore(%arg12 : memref<!tpu.dma_semaphore, #tpu.memory_space<semaphore_mem>>)
    %dma_start3A_266 = arith.constant 22 : i32
    %dma_start3A_267 = arith.constant 6 : i32
    %dma_start3A_268 = arith.constant 0 : i32
    %dma_start3A_269 = arith.constant 0 : i32
    %dma_start3A_270 = tpu.memref_slice %arg8[%dma_start3A_267, %dma_start3A_268, %dma_start3A_269] : memref<8x50x64xf32, #tpu.memory_space<vmem>> -> memref<1x50x64xf32, #tpu.memory_space<vmem>>
    %dma_start3A_271 = tpu.memref_squeeze %dma_start3A_270 : memref<1x50x64xf32, #tpu.memory_space<vmem>> -> memref<50x64xf32, #tpu.memory_space<vmem>>
    %dma_start3A_272 = arith.constant 0 : i32
    %dma_start3A_273 = tpu.memref_slice %arg5[%dma_start3A_266, %dma_start3A_272] : memref<512x50xi32, #tpu.memory_space<vmem>> -> memref<1x50xi32, #tpu.memory_space<vmem>>
    %dma_start3A_274 = tpu.memref_squeeze %dma_start3A_273 : memref<1x50xi32, #tpu.memory_space<vmem>> -> memref<50xi32, #tpu.memory_space<vmem>>
    %dma_start3A_275 = arith.constant 0 : i32
    %dma_start3A_276 = arith.constant 0 : i32
    %dma_start3A_277 = tpu.memref_slice %arg3[%dma_start3A_275, %dma_start3A_276] : memref<1000000x64xf32, #tpu.memory_space<hbm>> -> memref<1000000x64xf32, #tpu.memory_space<hbm>>
    tpu.enqueue_indirect_dma source(%dma_start3A_277 : memref<1000000x64xf32, #tpu.memory_space<hbm>>) target(%dma_start3A_271 : memref<50x64xf32, #tpu.memory_space<vmem>>) offsets(%dma_start3A_274 : memref<50xi32, #tpu.memory_space<vmem>>) semaphore(%arg12 : memref<!tpu.dma_semaphore, #tpu.memory_space<semaphore_mem>>)
    %dma_start3A_278 = arith.constant 23 : i32
    %dma_start3A_279 = arith.constant 7 : i32
    %dma_start3A_280 = arith.constant 0 : i32
    %dma_start3A_281 = arith.constant 0 : i32
    %dma_start3A_282 = tpu.memref_slice %arg8[%dma_start3A_279, %dma_start3A_280, %dma_start3A_281] : memref<8x50x64xf32, #tpu.memory_space<vmem>> -> memref<1x50x64xf32, #tpu.memory_space<vmem>>
    %dma_start3A_283 = tpu.memref_squeeze %dma_start3A_282 : memref<1x50x64xf32, #tpu.memory_space<vmem>> -> memref<50x64xf32, #tpu.memory_space<vmem>>
    %dma_start3A_284 = arith.constant 0 : i32
    %dma_start3A_285 = tpu.memref_slice %arg5[%dma_start3A_278, %dma_start3A_284] : memref<512x50xi32, #tpu.memory_space<vmem>> -> memref<1x50xi32, #tpu.memory_space<vmem>>
    %dma_start3A_286 = tpu.memref_squeeze %dma_start3A_285 : memref<1x50xi32, #tpu.memory_space<vmem>> -> memref<50xi32, #tpu.memory_space<vmem>>
    %dma_start3A_287 = arith.constant 0 : i32
    %dma_start3A_288 = arith.constant 0 : i32
    %dma_start3A_289 = tpu.memref_slice %arg3[%dma_start3A_287, %dma_start3A_288] : memref<1000000x64xf32, #tpu.memory_space<hbm>> -> memref<1000000x64xf32, #tpu.memory_space<hbm>>
    tpu.enqueue_indirect_dma source(%dma_start3A_289 : memref<1000000x64xf32, #tpu.memory_space<hbm>>) target(%dma_start3A_283 : memref<50x64xf32, #tpu.memory_space<vmem>>) offsets(%dma_start3A_286 : memref<50xi32, #tpu.memory_space<vmem>>) semaphore(%arg12 : memref<!tpu.dma_semaphore, #tpu.memory_space<semaphore_mem>>)
    %dma_start3A_290 = arith.constant 24 : i32
    %dma_start3A_291 = arith.constant 0 : i32
    %dma_start3A_292 = arith.constant 0 : i32
    %dma_start3A_293 = arith.constant 0 : i32
    %dma_start3A_294 = tpu.memref_slice %arg9[%dma_start3A_291, %dma_start3A_292, %dma_start3A_293] : memref<8x50x64xf32, #tpu.memory_space<vmem>> -> memref<1x50x64xf32, #tpu.memory_space<vmem>>
    %dma_start3A_295 = tpu.memref_squeeze %dma_start3A_294 : memref<1x50x64xf32, #tpu.memory_space<vmem>> -> memref<50x64xf32, #tpu.memory_space<vmem>>
    %dma_start3A_296 = arith.constant 0 : i32
    %dma_start3A_297 = tpu.memref_slice %arg5[%dma_start3A_290, %dma_start3A_296] : memref<512x50xi32, #tpu.memory_space<vmem>> -> memref<1x50xi32, #tpu.memory_space<vmem>>
    %dma_start3A_298 = tpu.memref_squeeze %dma_start3A_297 : memref<1x50xi32, #tpu.memory_space<vmem>> -> memref<50xi32, #tpu.memory_space<vmem>>
    %dma_start3A_299 = arith.constant 0 : i32
    %dma_start3A_300 = arith.constant 0 : i32
    %dma_start3A_301 = tpu.memref_slice %arg3[%dma_start3A_299, %dma_start3A_300] : memref<1000000x64xf32, #tpu.memory_space<hbm>> -> memref<1000000x64xf32, #tpu.memory_space<hbm>>
    tpu.enqueue_indirect_dma source(%dma_start3A_301 : memref<1000000x64xf32, #tpu.memory_space<hbm>>) target(%dma_start3A_295 : memref<50x64xf32, #tpu.memory_space<vmem>>) offsets(%dma_start3A_298 : memref<50xi32, #tpu.memory_space<vmem>>) semaphore(%arg13 : memref<!tpu.dma_semaphore, #tpu.memory_space<semaphore_mem>>)
    %dma_start3A_302 = arith.constant 25 : i32
    %dma_start3A_303 = arith.constant 1 : i32
    %dma_start3A_304 = arith.constant 0 : i32
    %dma_start3A_305 = arith.constant 0 : i32
    %dma_start3A_306 = tpu.memref_slice %arg9[%dma_start3A_303, %dma_start3A_304, %dma_start3A_305] : memref<8x50x64xf32, #tpu.memory_space<vmem>> -> memref<1x50x64xf32, #tpu.memory_space<vmem>>
    %dma_start3A_307 = tpu.memref_squeeze %dma_start3A_306 : memref<1x50x64xf32, #tpu.memory_space<vmem>> -> memref<50x64xf32, #tpu.memory_space<vmem>>
    %dma_start3A_308 = arith.constant 0 : i32
    %dma_start3A_309 = tpu.memref_slice %arg5[%dma_start3A_302, %dma_start3A_308] : memref<512x50xi32, #tpu.memory_space<vmem>> -> memref<1x50xi32, #tpu.memory_space<vmem>>
    %dma_start3A_310 = tpu.memref_squeeze %dma_start3A_309 : memref<1x50xi32, #tpu.memory_space<vmem>> -> memref<50xi32, #tpu.memory_space<vmem>>
    %dma_start3A_311 = arith.constant 0 : i32
    %dma_start3A_312 = arith.constant 0 : i32
    %dma_start3A_313 = tpu.memref_slice %arg3[%dma_start3A_311, %dma_start3A_312] : memref<1000000x64xf32, #tpu.memory_space<hbm>> -> memref<1000000x64xf32, #tpu.memory_space<hbm>>
    tpu.enqueue_indirect_dma source(%dma_start3A_313 : memref<1000000x64xf32, #tpu.memory_space<hbm>>) target(%dma_start3A_307 : memref<50x64xf32, #tpu.memory_space<vmem>>) offsets(%dma_start3A_310 : memref<50xi32, #tpu.memory_space<vmem>>) semaphore(%arg13 : memref<!tpu.dma_semaphore, #tpu.memory_space<semaphore_mem>>)
    %dma_start3A_314 = arith.constant 26 : i32
    %dma_start3A_315 = arith.constant 2 : i32
    %dma_start3A_316 = arith.constant 0 : i32
    %dma_start3A_317 = arith.constant 0 : i32
    %dma_start3A_318 = tpu.memref_slice %arg9[%dma_start3A_315, %dma_start3A_316, %dma_start3A_317] : memref<8x50x64xf32, #tpu.memory_space<vmem>> -> memref<1x50x64xf32, #tpu.memory_space<vmem>>
    %dma_start3A_319 = tpu.memref_squeeze %dma_start3A_318 : memref<1x50x64xf32, #tpu.memory_space<vmem>> -> memref<50x64xf32, #tpu.memory_space<vmem>>
    %dma_start3A_320 = arith.constant 0 : i32
    %dma_start3A_321 = tpu.memref_slice %arg5[%dma_start3A_314, %dma_start3A_320] : memref<512x50xi32, #tpu.memory_space<vmem>> -> memref<1x50xi32, #tpu.memory_space<vmem>>
    %dma_start3A_322 = tpu.memref_squeeze %dma_start3A_321 : memref<1x50xi32, #tpu.memory_space<vmem>> -> memref<50xi32, #tpu.memory_space<vmem>>
    %dma_start3A_323 = arith.constant 0 : i32
    %dma_start3A_324 = arith.constant 0 : i32
    %dma_start3A_325 = tpu.memref_slice %arg3[%dma_start3A_323, %dma_start3A_324] : memref<1000000x64xf32, #tpu.memory_space<hbm>> -> memref<1000000x64xf32, #tpu.memory_space<hbm>>
    tpu.enqueue_indirect_dma source(%dma_start3A_325 : memref<1000000x64xf32, #tpu.memory_space<hbm>>) target(%dma_start3A_319 : memref<50x64xf32, #tpu.memory_space<vmem>>) offsets(%dma_start3A_322 : memref<50xi32, #tpu.memory_space<vmem>>) semaphore(%arg13 : memref<!tpu.dma_semaphore, #tpu.memory_space<semaphore_mem>>)
    %dma_start3A_326 = arith.constant 27 : i32
    %dma_start3A_327 = arith.constant 3 : i32
    %dma_start3A_328 = arith.constant 0 : i32
    %dma_start3A_329 = arith.constant 0 : i32
    %dma_start3A_330 = tpu.memref_slice %arg9[%dma_start3A_327, %dma_start3A_328, %dma_start3A_329] : memref<8x50x64xf32, #tpu.memory_space<vmem>> -> memref<1x50x64xf32, #tpu.memory_space<vmem>>
    %dma_start3A_331 = tpu.memref_squeeze %dma_start3A_330 : memref<1x50x64xf32, #tpu.memory_space<vmem>> -> memref<50x64xf32, #tpu.memory_space<vmem>>
    %dma_start3A_332 = arith.constant 0 : i32
    %dma_start3A_333 = tpu.memref_slice %arg5[%dma_start3A_326, %dma_start3A_332] : memref<512x50xi32, #tpu.memory_space<vmem>> -> memref<1x50xi32, #tpu.memory_space<vmem>>
    %dma_start3A_334 = tpu.memref_squeeze %dma_start3A_333 : memref<1x50xi32, #tpu.memory_space<vmem>> -> memref<50xi32, #tpu.memory_space<vmem>>
    %dma_start3A_335 = arith.constant 0 : i32
    %dma_start3A_336 = arith.constant 0 : i32
    %dma_start3A_337 = tpu.memref_slice %arg3[%dma_start3A_335, %dma_start3A_336] : memref<1000000x64xf32, #tpu.memory_space<hbm>> -> memref<1000000x64xf32, #tpu.memory_space<hbm>>
    tpu.enqueue_indirect_dma source(%dma_start3A_337 : memref<1000000x64xf32, #tpu.memory_space<hbm>>) target(%dma_start3A_331 : memref<50x64xf32, #tpu.memory_space<vmem>>) offsets(%dma_start3A_334 : memref<50xi32, #tpu.memory_space<vmem>>) semaphore(%arg13 : memref<!tpu.dma_semaphore, #tpu.memory_space<semaphore_mem>>)
    %dma_start3A_338 = arith.constant 28 : i32
    %dma_start3A_339 = arith.constant 4 : i32
    %dma_start3A_340 = arith.constant 0 : i32
    %dma_start3A_341 = arith.constant 0 : i32
    %dma_start3A_342 = tpu.memref_slice %arg9[%dma_start3A_339, %dma_start3A_340, %dma_start3A_341] : memref<8x50x64xf32, #tpu.memory_space<vmem>> -> memref<1x50x64xf32, #tpu.memory_space<vmem>>
    %dma_start3A_343 = tpu.memref_squeeze %dma_start3A_342 : memref<1x50x64xf32, #tpu.memory_space<vmem>> -> memref<50x64xf32, #tpu.memory_space<vmem>>
    %dma_start3A_344 = arith.constant 0 : i32
    %dma_start3A_345 = tpu.memref_slice %arg5[%dma_start3A_338, %dma_start3A_344] : memref<512x50xi32, #tpu.memory_space<vmem>> -> memref<1x50xi32, #tpu.memory_space<vmem>>
    %dma_start3A_346 = tpu.memref_squeeze %dma_start3A_345 : memref<1x50xi32, #tpu.memory_space<vmem>> -> memref<50xi32, #tpu.memory_space<vmem>>
    %dma_start3A_347 = arith.constant 0 : i32
    %dma_start3A_348 = arith.constant 0 : i32
    %dma_start3A_349 = tpu.memref_slice %arg3[%dma_start3A_347, %dma_start3A_348] : memref<1000000x64xf32, #tpu.memory_space<hbm>> -> memref<1000000x64xf32, #tpu.memory_space<hbm>>
    tpu.enqueue_indirect_dma source(%dma_start3A_349 : memref<1000000x64xf32, #tpu.memory_space<hbm>>) target(%dma_start3A_343 : memref<50x64xf32, #tpu.memory_space<vmem>>) offsets(%dma_start3A_346 : memref<50xi32, #tpu.memory_space<vmem>>) semaphore(%arg13 : memref<!tpu.dma_semaphore, #tpu.memory_space<semaphore_mem>>)
    %dma_start3A_350 = arith.constant 29 : i32
    %dma_start3A_351 = arith.constant 5 : i32
    %dma_start3A_352 = arith.constant 0 : i32
    %dma_start3A_353 = arith.constant 0 : i32
    %dma_start3A_354 = tpu.memref_slice %arg9[%dma_start3A_351, %dma_start3A_352, %dma_start3A_353] : memref<8x50x64xf32, #tpu.memory_space<vmem>> -> memref<1x50x64xf32, #tpu.memory_space<vmem>>
    %dma_start3A_355 = tpu.memref_squeeze %dma_start3A_354 : memref<1x50x64xf32, #tpu.memory_space<vmem>> -> memref<50x64xf32, #tpu.memory_space<vmem>>
    %dma_start3A_356 = arith.constant 0 : i32
    %dma_start3A_357 = tpu.memref_slice %arg5[%dma_start3A_350, %dma_start3A_356] : memref<512x50xi32, #tpu.memory_space<vmem>> -> memref<1x50xi32, #tpu.memory_space<vmem>>
    %dma_start3A_358 = tpu.memref_squeeze %dma_start3A_357 : memref<1x50xi32, #tpu.memory_space<vmem>> -> memref<50xi32, #tpu.memory_space<vmem>>
    %dma_start3A_359 = arith.constant 0 : i32
    %dma_start3A_360 = arith.constant 0 : i32
    %dma_start3A_361 = tpu.memref_slice %arg3[%dma_start3A_359, %dma_start3A_360] : memref<1000000x64xf32, #tpu.memory_space<hbm>> -> memref<1000000x64xf32, #tpu.memory_space<hbm>>
    tpu.enqueue_indirect_dma source(%dma_start3A_361 : memref<1000000x64xf32, #tpu.memory_space<hbm>>) target(%dma_start3A_355 : memref<50x64xf32, #tpu.memory_space<vmem>>) offsets(%dma_start3A_358 : memref<50xi32, #tpu.memory_space<vmem>>) semaphore(%arg13 : memref<!tpu.dma_semaphore, #tpu.memory_space<semaphore_mem>>)
    %dma_start3A_362 = arith.constant 30 : i32
    %dma_start3A_363 = arith.constant 6 : i32
    %dma_start3A_364 = arith.constant 0 : i32
    %dma_start3A_365 = arith.constant 0 : i32
    %dma_start3A_366 = tpu.memref_slice %arg9[%dma_start3A_363, %dma_start3A_364, %dma_start3A_365] : memref<8x50x64xf32, #tpu.memory_space<vmem>> -> memref<1x50x64xf32, #tpu.memory_space<vmem>>
    %dma_start3A_367 = tpu.memref_squeeze %dma_start3A_366 : memref<1x50x64xf32, #tpu.memory_space<vmem>> -> memref<50x64xf32, #tpu.memory_space<vmem>>
    %dma_start3A_368 = arith.constant 0 : i32
    %dma_start3A_369 = tpu.memref_slice %arg5[%dma_start3A_362, %dma_start3A_368] : memref<512x50xi32, #tpu.memory_space<vmem>> -> memref<1x50xi32, #tpu.memory_space<vmem>>
    %dma_start3A_370 = tpu.memref_squeeze %dma_start3A_369 : memref<1x50xi32, #tpu.memory_space<vmem>> -> memref<50xi32, #tpu.memory_space<vmem>>
    %dma_start3A_371 = arith.constant 0 : i32
    %dma_start3A_372 = arith.constant 0 : i32
    %dma_start3A_373 = tpu.memref_slice %arg3[%dma_start3A_371, %dma_start3A_372] : memref<1000000x64xf32, #tpu.memory_space<hbm>> -> memref<1000000x64xf32, #tpu.memory_space<hbm>>
    tpu.enqueue_indirect_dma source(%dma_start3A_373 : memref<1000000x64xf32, #tpu.memory_space<hbm>>) target(%dma_start3A_367 : memref<50x64xf32, #tpu.memory_space<vmem>>) offsets(%dma_start3A_370 : memref<50xi32, #tpu.memory_space<vmem>>) semaphore(%arg13 : memref<!tpu.dma_semaphore, #tpu.memory_space<semaphore_mem>>)
    %dma_start3A_374 = arith.constant 31 : i32
    %dma_start3A_375 = arith.constant 7 : i32
    %dma_start3A_376 = arith.constant 0 : i32
    %dma_start3A_377 = arith.constant 0 : i32
    %dma_start3A_378 = tpu.memref_slice %arg9[%dma_start3A_375, %dma_start3A_376, %dma_start3A_377] : memref<8x50x64xf32, #tpu.memory_space<vmem>> -> memref<1x50x64xf32, #tpu.memory_space<vmem>>
    %dma_start3A_379 = tpu.memref_squeeze %dma_start3A_378 : memref<1x50x64xf32, #tpu.memory_space<vmem>> -> memref<50x64xf32, #tpu.memory_space<vmem>>
    %dma_start3A_380 = arith.constant 0 : i32
    %dma_start3A_381 = tpu.memref_slice %arg5[%dma_start3A_374, %dma_start3A_380] : memref<512x50xi32, #tpu.memory_space<vmem>> -> memref<1x50xi32, #tpu.memory_space<vmem>>
    %dma_start3A_382 = tpu.memref_squeeze %dma_start3A_381 : memref<1x50xi32, #tpu.memory_space<vmem>> -> memref<50xi32, #tpu.memory_space<vmem>>
    %dma_start3A_383 = arith.constant 0 : i32
    %dma_start3A_384 = arith.constant 0 : i32
    %dma_start3A_385 = tpu.memref_slice %arg3[%dma_start3A_383, %dma_start3A_384] : memref<1000000x64xf32, #tpu.memory_space<hbm>> -> memref<1000000x64xf32, #tpu.memory_space<hbm>>
    tpu.enqueue_indirect_dma source(%dma_start3A_385 : memref<1000000x64xf32, #tpu.memory_space<hbm>>) target(%dma_start3A_379 : memref<50x64xf32, #tpu.memory_space<vmem>>) offsets(%dma_start3A_382 : memref<50xi32, #tpu.memory_space<vmem>>) semaphore(%arg13 : memref<!tpu.dma_semaphore, #tpu.memory_space<semaphore_mem>>)
    %scan3A = arith.constant 0 : i32
    %scan3A_386 = arith.constant 16 : i32
    %scan3A_387 = arith.addi %scan3A, %scan3A_386 : i32
    %scan3A_388 = arith.constant 1 : i32
    scf.for %scan3A_413 = %scan3A to %scan3A_387 step %scan3A_388  : i32 {
      %mul3A_414 = arith.constant 4 : i32
      %mul3A_415 = arith.muli %scan3A_413, %mul3A_414 : i32
      %add3A_416 = arith.constant 0 : i32
      %add3A_417 = arith.addi %mul3A_415, %add3A_416 : i32
      %dma_wait3A_418 = arith.constant 0 : i32
      %dma_wait3A_419 = arith.constant 0 : i32
      %dma_wait3A_420 = arith.constant 0 : i32
      %dma_wait3A_421 = tpu.memref_slice %arg4[%dma_wait3A_418, %dma_wait3A_419, %dma_wait3A_420] : memref<16384x50x64xf32, #tpu.memory_space<hbm>> -> memref<8x50x64xf32, #tpu.memory_space<hbm>>
      %dma_wait3A_422 = arith.constant 0 : i32
      %dma_wait3A_423 = arith.constant 0 : i32
      %dma_wait3A_424 = arith.constant 0 : i32
      %dma_wait3A_425 = tpu.memref_slice %arg4[%dma_wait3A_422, %dma_wait3A_423, %dma_wait3A_424] : memref<16384x50x64xf32, #tpu.memory_space<hbm>> -> memref<8x50x64xf32, #tpu.memory_space<hbm>>
      tpu.wait_dma2 semaphore(%arg10 : memref<!tpu.dma_semaphore, #tpu.memory_space<semaphore_mem>>) src(%dma_wait3A_425 : memref<8x50x64xf32, #tpu.memory_space<hbm>>) dst(%arg6 : memref<8x50x64xf32, #tpu.memory_space<vmem>>)
      %mul3A_426 = arith.constant 8 : i32
      %mul3A_427 = arith.muli %add3A_417, %mul3A_426 : i32
      %add3A_428 = arith.addi %mul3A_2, %mul3A_427 : i32
      %dma_start3A_429 = arith.constant 0 : i32
      %dma_start3A_430 = arith.constant 0 : i32
      %dma_start3A_431 = tpu.memref_slice %arg4[%add3A_428, %dma_start3A_429, %dma_start3A_430] : memref<16384x50x64xf32, #tpu.memory_space<hbm>> -> memref<8x50x64xf32, #tpu.memory_space<hbm>>
      %dma_start3A_432 = arith.constant 0 : i32
      %dma_start3A_433 = arith.constant 0 : i32
      %dma_start3A_434 = tpu.memref_slice %arg4[%add3A_428, %dma_start3A_432, %dma_start3A_433] : memref<16384x50x64xf32, #tpu.memory_space<hbm>> -> memref<8x50x64xf32, #tpu.memory_space<hbm>>
      tpu.enqueue_dma source(%arg6 : memref<8x50x64xf32, #tpu.memory_space<vmem>>) target(%dma_start3A_434 : memref<8x50x64xf32, #tpu.memory_space<hbm>>) target_semaphore(%arg14 : memref<!tpu.dma_semaphore, #tpu.memory_space<semaphore_mem>>)
      %add3A_435 = arith.constant 4 : i32
      %add3A_436 = arith.addi %add3A_417, %add3A_435 : i32
      %sub3A = arith.constant 2 : i32
      %sub3A_437 = arith.subi %add3A_436, %sub3A : i32
      %ge3A = arith.constant 4 : i32
      %ge3A_438 = arith.cmpi sge, %sub3A_437, %ge3A : i32
      %lt3A = arith.constant 64 : i32
      %lt3A_439 = arith.cmpi slt, %sub3A_437, %lt3A : i32
      %and3A = arith.andi %ge3A_438, %lt3A_439 : i1
      %convert_element_type3A = arith.extui %and3A : i1 to i32
      %cond3A = arith.constant 0 : i32
      %cond3A_440 = arith.cmpi ne, %convert_element_type3A, %cond3A : i32
      scf.if %cond3A_440 {
        %dma_wait3A_540 = arith.constant 0 : i32
        %dma_wait3A_541 = arith.constant 0 : i32
        %dma_wait3A_542 = tpu.memref_slice %arg4[%mul3A_2, %dma_wait3A_540, %dma_wait3A_541] : memref<16384x50x64xf32, #tpu.memory_space<hbm>> -> memref<8x50x64xf32, #tpu.memory_space<hbm>>
        %dma_wait3A_543 = arith.constant 0 : i32
        %dma_wait3A_544 = arith.constant 0 : i32
        %dma_wait3A_545 = tpu.memref_slice %arg4[%mul3A_2, %dma_wait3A_543, %dma_wait3A_544] : memref<16384x50x64xf32, #tpu.memory_space<hbm>> -> memref<8x50x64xf32, #tpu.memory_space<hbm>>
        tpu.wait_dma2 semaphore(%arg16 : memref<!tpu.dma_semaphore, #tpu.memory_space<semaphore_mem>>) src(%arg8 : memref<8x50x64xf32, #tpu.memory_space<vmem>>) dst(%dma_wait3A_545 : memref<8x50x64xf32, #tpu.memory_space<hbm>>)
        %mul3A_546 = arith.constant 8 : i32
        %mul3A_547 = arith.muli %sub3A_437, %mul3A_546 : i32
        %add3A_548 = arith.constant 0 : i32
        %add3A_549 = arith.addi %mul3A_547, %add3A_548 : i32
        %dma_start3A_550 = arith.constant 0 : i32
        %dma_start3A_551 = arith.constant 0 : i32
        %dma_start3A_552 = arith.constant 0 : i32
        %dma_start3A_553 = tpu.memref_slice %arg8[%dma_start3A_550, %dma_start3A_551, %dma_start3A_552] : memref<8x50x64xf32, #tpu.memory_space<vmem>> -> memref<1x50x64xf32, #tpu.memory_space<vmem>>
        %dma_start3A_554 = tpu.memref_squeeze %dma_start3A_553 : memref<1x50x64xf32, #tpu.memory_space<vmem>> -> memref<50x64xf32, #tpu.memory_space<vmem>>
        %dma_start3A_555 = arith.constant 0 : i32
        %dma_start3A_556 = tpu.memref_slice %arg5[%add3A_549, %dma_start3A_555] : memref<512x50xi32, #tpu.memory_space<vmem>> -> memref<1x50xi32, #tpu.memory_space<vmem>>
        %dma_start3A_557 = tpu.memref_squeeze %dma_start3A_556 : memref<1x50xi32, #tpu.memory_space<vmem>> -> memref<50xi32, #tpu.memory_space<vmem>>
        %dma_start3A_558 = arith.constant 0 : i32
        %dma_start3A_559 = arith.constant 0 : i32
        %dma_start3A_560 = tpu.memref_slice %arg3[%dma_start3A_558, %dma_start3A_559] : memref<1000000x64xf32, #tpu.memory_space<hbm>> -> memref<1000000x64xf32, #tpu.memory_space<hbm>>
        tpu.enqueue_indirect_dma source(%dma_start3A_560 : memref<1000000x64xf32, #tpu.memory_space<hbm>>) target(%dma_start3A_554 : memref<50x64xf32, #tpu.memory_space<vmem>>) offsets(%dma_start3A_557 : memref<50xi32, #tpu.memory_space<vmem>>) semaphore(%arg12 : memref<!tpu.dma_semaphore, #tpu.memory_space<semaphore_mem>>)
        %mul3A_561 = arith.constant 8 : i32
        %mul3A_562 = arith.muli %sub3A_437, %mul3A_561 : i32
        %add3A_563 = arith.constant 1 : i32
        %add3A_564 = arith.addi %mul3A_562, %add3A_563 : i32
        %dma_start3A_565 = arith.constant 1 : i32
        %dma_start3A_566 = arith.constant 0 : i32
        %dma_start3A_567 = arith.constant 0 : i32
        %dma_start3A_568 = tpu.memref_slice %arg8[%dma_start3A_565, %dma_start3A_566, %dma_start3A_567] : memref<8x50x64xf32, #tpu.memory_space<vmem>> -> memref<1x50x64xf32, #tpu.memory_space<vmem>>
        %dma_start3A_569 = tpu.memref_squeeze %dma_start3A_568 : memref<1x50x64xf32, #tpu.memory_space<vmem>> -> memref<50x64xf32, #tpu.memory_space<vmem>>
        %dma_start3A_570 = arith.constant 0 : i32
        %dma_start3A_571 = tpu.memref_slice %arg5[%add3A_564, %dma_start3A_570] : memref<512x50xi32, #tpu.memory_space<vmem>> -> memref<1x50xi32, #tpu.memory_space<vmem>>
        %dma_start3A_572 = tpu.memref_squeeze %dma_start3A_571 : memref<1x50xi32, #tpu.memory_space<vmem>> -> memref<50xi32, #tpu.memory_space<vmem>>
        %dma_start3A_573 = arith.constant 0 : i32
        %dma_start3A_574 = arith.constant 0 : i32
        %dma_start3A_575 = tpu.memref_slice %arg3[%dma_start3A_573, %dma_start3A_574] : memref<1000000x64xf32, #tpu.memory_space<hbm>> -> memref<1000000x64xf32, #tpu.memory_space<hbm>>
        tpu.enqueue_indirect_dma source(%dma_start3A_575 : memref<1000000x64xf32, #tpu.memory_space<hbm>>) target(%dma_start3A_569 : memref<50x64xf32, #tpu.memory_space<vmem>>) offsets(%dma_start3A_572 : memref<50xi32, #tpu.memory_space<vmem>>) semaphore(%arg12 : memref<!tpu.dma_semaphore, #tpu.memory_space<semaphore_mem>>)
        %mul3A_576 = arith.constant 8 : i32
        %mul3A_577 = arith.muli %sub3A_437, %mul3A_576 : i32
        %add3A_578 = arith.constant 2 : i32
        %add3A_579 = arith.addi %mul3A_577, %add3A_578 : i32
        %dma_start3A_580 = arith.constant 2 : i32
        %dma_start3A_581 = arith.constant 0 : i32
        %dma_start3A_582 = arith.constant 0 : i32
        %dma_start3A_583 = tpu.memref_slice %arg8[%dma_start3A_580, %dma_start3A_581, %dma_start3A_582] : memref<8x50x64xf32, #tpu.memory_space<vmem>> -> memref<1x50x64xf32, #tpu.memory_space<vmem>>
        %dma_start3A_584 = tpu.memref_squeeze %dma_start3A_583 : memref<1x50x64xf32, #tpu.memory_space<vmem>> -> memref<50x64xf32, #tpu.memory_space<vmem>>
        %dma_start3A_585 = arith.constant 0 : i32
        %dma_start3A_586 = tpu.memref_slice %arg5[%add3A_579, %dma_start3A_585] : memref<512x50xi32, #tpu.memory_space<vmem>> -> memref<1x50xi32, #tpu.memory_space<vmem>>
        %dma_start3A_587 = tpu.memref_squeeze %dma_start3A_586 : memref<1x50xi32, #tpu.memory_space<vmem>> -> memref<50xi32, #tpu.memory_space<vmem>>
        %dma_start3A_588 = arith.constant 0 : i32
        %dma_start3A_589 = arith.constant 0 : i32
        %dma_start3A_590 = tpu.memref_slice %arg3[%dma_start3A_588, %dma_start3A_589] : memref<1000000x64xf32, #tpu.memory_space<hbm>> -> memref<1000000x64xf32, #tpu.memory_space<hbm>>
        tpu.enqueue_indirect_dma source(%dma_start3A_590 : memref<1000000x64xf32, #tpu.memory_space<hbm>>) target(%dma_start3A_584 : memref<50x64xf32, #tpu.memory_space<vmem>>) offsets(%dma_start3A_587 : memref<50xi32, #tpu.memory_space<vmem>>) semaphore(%arg12 : memref<!tpu.dma_semaphore, #tpu.memory_space<semaphore_mem>>)
        %mul3A_591 = arith.constant 8 : i32
        %mul3A_592 = arith.muli %sub3A_437, %mul3A_591 : i32
        %add3A_593 = arith.constant 3 : i32
        %add3A_594 = arith.addi %mul3A_592, %add3A_593 : i32
        %dma_start3A_595 = arith.constant 3 : i32
        %dma_start3A_596 = arith.constant 0 : i32
        %dma_start3A_597 = arith.constant 0 : i32
        %dma_start3A_598 = tpu.memref_slice %arg8[%dma_start3A_595, %dma_start3A_596, %dma_start3A_597] : memref<8x50x64xf32, #tpu.memory_space<vmem>> -> memref<1x50x64xf32, #tpu.memory_space<vmem>>
        %dma_start3A_599 = tpu.memref_squeeze %dma_start3A_598 : memref<1x50x64xf32, #tpu.memory_space<vmem>> -> memref<50x64xf32, #tpu.memory_space<vmem>>
        %dma_start3A_600 = arith.constant 0 : i32
        %dma_start3A_601 = tpu.memref_slice %arg5[%add3A_594, %dma_start3A_600] : memref<512x50xi32, #tpu.memory_space<vmem>> -> memref<1x50xi32, #tpu.memory_space<vmem>>
        %dma_start3A_602 = tpu.memref_squeeze %dma_start3A_601 : memref<1x50xi32, #tpu.memory_space<vmem>> -> memref<50xi32, #tpu.memory_space<vmem>>
        %dma_start3A_603 = arith.constant 0 : i32
        %dma_start3A_604 = arith.constant 0 : i32
        %dma_start3A_605 = tpu.memref_slice %arg3[%dma_start3A_603, %dma_start3A_604] : memref<1000000x64xf32, #tpu.memory_space<hbm>> -> memref<1000000x64xf32, #tpu.memory_space<hbm>>
        tpu.enqueue_indirect_dma source(%dma_start3A_605 : memref<1000000x64xf32, #tpu.memory_space<hbm>>) target(%dma_start3A_599 : memref<50x64xf32, #tpu.memory_space<vmem>>) offsets(%dma_start3A_602 : memref<50xi32, #tpu.memory_space<vmem>>) semaphore(%arg12 : memref<!tpu.dma_semaphore, #tpu.memory_space<semaphore_mem>>)
        %mul3A_606 = arith.constant 8 : i32
        %mul3A_607 = arith.muli %sub3A_437, %mul3A_606 : i32
        %add3A_608 = arith.constant 4 : i32
        %add3A_609 = arith.addi %mul3A_607, %add3A_608 : i32
        %dma_start3A_610 = arith.constant 4 : i32
        %dma_start3A_611 = arith.constant 0 : i32
        %dma_start3A_612 = arith.constant 0 : i32
        %dma_start3A_613 = tpu.memref_slice %arg8[%dma_start3A_610, %dma_start3A_611, %dma_start3A_612] : memref<8x50x64xf32, #tpu.memory_space<vmem>> -> memref<1x50x64xf32, #tpu.memory_space<vmem>>
        %dma_start3A_614 = tpu.memref_squeeze %dma_start3A_613 : memref<1x50x64xf32, #tpu.memory_space<vmem>> -> memref<50x64xf32, #tpu.memory_space<vmem>>
        %dma_start3A_615 = arith.constant 0 : i32
        %dma_start3A_616 = tpu.memref_slice %arg5[%add3A_609, %dma_start3A_615] : memref<512x50xi32, #tpu.memory_space<vmem>> -> memref<1x50xi32, #tpu.memory_space<vmem>>
        %dma_start3A_617 = tpu.memref_squeeze %dma_start3A_616 : memref<1x50xi32, #tpu.memory_space<vmem>> -> memref<50xi32, #tpu.memory_space<vmem>>
        %dma_start3A_618 = arith.constant 0 : i32
        %dma_start3A_619 = arith.constant 0 : i32
        %dma_start3A_620 = tpu.memref_slice %arg3[%dma_start3A_618, %dma_start3A_619] : memref<1000000x64xf32, #tpu.memory_space<hbm>> -> memref<1000000x64xf32, #tpu.memory_space<hbm>>
        tpu.enqueue_indirect_dma source(%dma_start3A_620 : memref<1000000x64xf32, #tpu.memory_space<hbm>>) target(%dma_start3A_614 : memref<50x64xf32, #tpu.memory_space<vmem>>) offsets(%dma_start3A_617 : memref<50xi32, #tpu.memory_space<vmem>>) semaphore(%arg12 : memref<!tpu.dma_semaphore, #tpu.memory_space<semaphore_mem>>)
        %mul3A_621 = arith.constant 8 : i32
        %mul3A_622 = arith.muli %sub3A_437, %mul3A_621 : i32
        %add3A_623 = arith.constant 5 : i32
        %add3A_624 = arith.addi %mul3A_622, %add3A_623 : i32
        %dma_start3A_625 = arith.constant 5 : i32
        %dma_start3A_626 = arith.constant 0 : i32
        %dma_start3A_627 = arith.constant 0 : i32
        %dma_start3A_628 = tpu.memref_slice %arg8[%dma_start3A_625, %dma_start3A_626, %dma_start3A_627] : memref<8x50x64xf32, #tpu.memory_space<vmem>> -> memref<1x50x64xf32, #tpu.memory_space<vmem>>
        %dma_start3A_629 = tpu.memref_squeeze %dma_start3A_628 : memref<1x50x64xf32, #tpu.memory_space<vmem>> -> memref<50x64xf32, #tpu.memory_space<vmem>>
        %dma_start3A_630 = arith.constant 0 : i32
        %dma_start3A_631 = tpu.memref_slice %arg5[%add3A_624, %dma_start3A_630] : memref<512x50xi32, #tpu.memory_space<vmem>> -> memref<1x50xi32, #tpu.memory_space<vmem>>
        %dma_start3A_632 = tpu.memref_squeeze %dma_start3A_631 : memref<1x50xi32, #tpu.memory_space<vmem>> -> memref<50xi32, #tpu.memory_space<vmem>>
        %dma_start3A_633 = arith.constant 0 : i32
        %dma_start3A_634 = arith.constant 0 : i32
        %dma_start3A_635 = tpu.memref_slice %arg3[%dma_start3A_633, %dma_start3A_634] : memref<1000000x64xf32, #tpu.memory_space<hbm>> -> memref<1000000x64xf32, #tpu.memory_space<hbm>>
        tpu.enqueue_indirect_dma source(%dma_start3A_635 : memref<1000000x64xf32, #tpu.memory_space<hbm>>) target(%dma_start3A_629 : memref<50x64xf32, #tpu.memory_space<vmem>>) offsets(%dma_start3A_632 : memref<50xi32, #tpu.memory_space<vmem>>) semaphore(%arg12 : memref<!tpu.dma_semaphore, #tpu.memory_space<semaphore_mem>>)
        %mul3A_636 = arith.constant 8 : i32
        %mul3A_637 = arith.muli %sub3A_437, %mul3A_636 : i32
        %add3A_638 = arith.constant 6 : i32
        %add3A_639 = arith.addi %mul3A_637, %add3A_638 : i32
        %dma_start3A_640 = arith.constant 6 : i32
        %dma_start3A_641 = arith.constant 0 : i32
        %dma_start3A_642 = arith.constant 0 : i32
        %dma_start3A_643 = tpu.memref_slice %arg8[%dma_start3A_640, %dma_start3A_641, %dma_start3A_642] : memref<8x50x64xf32, #tpu.memory_space<vmem>> -> memref<1x50x64xf32, #tpu.memory_space<vmem>>
        %dma_start3A_644 = tpu.memref_squeeze %dma_start3A_643 : memref<1x50x64xf32, #tpu.memory_space<vmem>> -> memref<50x64xf32, #tpu.memory_space<vmem>>
        %dma_start3A_645 = arith.constant 0 : i32
        %dma_start3A_646 = tpu.memref_slice %arg5[%add3A_639, %dma_start3A_645] : memref<512x50xi32, #tpu.memory_space<vmem>> -> memref<1x50xi32, #tpu.memory_space<vmem>>
        %dma_start3A_647 = tpu.memref_squeeze %dma_start3A_646 : memref<1x50xi32, #tpu.memory_space<vmem>> -> memref<50xi32, #tpu.memory_space<vmem>>
        %dma_start3A_648 = arith.constant 0 : i32
        %dma_start3A_649 = arith.constant 0 : i32
        %dma_start3A_650 = tpu.memref_slice %arg3[%dma_start3A_648, %dma_start3A_649] : memref<1000000x64xf32, #tpu.memory_space<hbm>> -> memref<1000000x64xf32, #tpu.memory_space<hbm>>
        tpu.enqueue_indirect_dma source(%dma_start3A_650 : memref<1000000x64xf32, #tpu.memory_space<hbm>>) target(%dma_start3A_644 : memref<50x64xf32, #tpu.memory_space<vmem>>) offsets(%dma_start3A_647 : memref<50xi32, #tpu.memory_space<vmem>>) semaphore(%arg12 : memref<!tpu.dma_semaphore, #tpu.memory_space<semaphore_mem>>)
        %mul3A_651 = arith.constant 8 : i32
        %mul3A_652 = arith.muli %sub3A_437, %mul3A_651 : i32
        %add3A_653 = arith.constant 7 : i32
        %add3A_654 = arith.addi %mul3A_652, %add3A_653 : i32
        %dma_start3A_655 = arith.constant 7 : i32
        %dma_start3A_656 = arith.constant 0 : i32
        %dma_start3A_657 = arith.constant 0 : i32
        %dma_start3A_658 = tpu.memref_slice %arg8[%dma_start3A_655, %dma_start3A_656, %dma_start3A_657] : memref<8x50x64xf32, #tpu.memory_space<vmem>> -> memref<1x50x64xf32, #tpu.memory_space<vmem>>
        %dma_start3A_659 = tpu.memref_squeeze %dma_start3A_658 : memref<1x50x64xf32, #tpu.memory_space<vmem>> -> memref<50x64xf32, #tpu.memory_space<vmem>>
        %dma_start3A_660 = arith.constant 0 : i32
        %dma_start3A_661 = tpu.memref_slice %arg5[%add3A_654, %dma_start3A_660] : memref<512x50xi32, #tpu.memory_space<vmem>> -> memref<1x50xi32, #tpu.memory_space<vmem>>
        %dma_start3A_662 = tpu.memref_squeeze %dma_start3A_661 : memref<1x50xi32, #tpu.memory_space<vmem>> -> memref<50xi32, #tpu.memory_space<vmem>>
        %dma_start3A_663 = arith.constant 0 : i32
        %dma_start3A_664 = arith.constant 0 : i32
        %dma_start3A_665 = tpu.memref_slice %arg3[%dma_start3A_663, %dma_start3A_664] : memref<1000000x64xf32, #tpu.memory_space<hbm>> -> memref<1000000x64xf32, #tpu.memory_space<hbm>>
        tpu.enqueue_indirect_dma source(%dma_start3A_665 : memref<1000000x64xf32, #tpu.memory_space<hbm>>) target(%dma_start3A_659 : memref<50x64xf32, #tpu.memory_space<vmem>>) offsets(%dma_start3A_662 : memref<50xi32, #tpu.memory_space<vmem>>) semaphore(%arg12 : memref<!tpu.dma_semaphore, #tpu.memory_space<semaphore_mem>>)
      } else {
      }
      %mul3A_441 = arith.constant 4 : i32
      %mul3A_442 = arith.muli %scan3A_413, %mul3A_441 : i32
      %add3A_443 = arith.constant 1 : i32
      %add3A_444 = arith.addi %mul3A_442, %add3A_443 : i32
      %dma_wait3A_445 = arith.constant 0 : i32
      %dma_wait3A_446 = arith.constant 0 : i32
      %dma_wait3A_447 = arith.constant 0 : i32
      %dma_wait3A_448 = tpu.memref_slice %arg4[%dma_wait3A_445, %dma_wait3A_446, %dma_wait3A_447] : memref<16384x50x64xf32, #tpu.memory_space<hbm>> -> memref<8x50x64xf32, #tpu.memory_space<hbm>>
      %dma_wait3A_449 = arith.constant 0 : i32
      %dma_wait3A_450 = arith.constant 0 : i32
      %dma_wait3A_451 = arith.constant 0 : i32
      %dma_wait3A_452 = tpu.memref_slice %arg4[%dma_wait3A_449, %dma_wait3A_450, %dma_wait3A_451] : memref<16384x50x64xf32, #tpu.memory_space<hbm>> -> memref<8x50x64xf32, #tpu.memory_space<hbm>>
      tpu.wait_dma2 semaphore(%arg11 : memref<!tpu.dma_semaphore, #tpu.memory_space<semaphore_mem>>) src(%dma_wait3A_452 : memref<8x50x64xf32, #tpu.memory_space<hbm>>) dst(%arg7 : memref<8x50x64xf32, #tpu.memory_space<vmem>>)
      %mul3A_453 = arith.constant 8 : i32
      %mul3A_454 = arith.muli %add3A_444, %mul3A_453 : i32
      %add3A_455 = arith.addi %mul3A_2, %mul3A_454 : i32
      %dma_start3A_456 = arith.constant 0 : i32
      %dma_start3A_457 = arith.constant 0 : i32
      %dma_start3A_458 = tpu.memref_slice %arg4[%add3A_455, %dma_start3A_456, %dma_start3A_457] : memref<16384x50x64xf32, #tpu.memory_space<hbm>> -> memref<8x50x64xf32, #tpu.memory_space<hbm>>
      %dma_start3A_459 = arith.constant 0 : i32
      %dma_start3A_460 = arith.constant 0 : i32
      %dma_start3A_461 = tpu.memref_slice %arg4[%add3A_455, %dma_start3A_459, %dma_start3A_460] : memref<16384x50x64xf32, #tpu.memory_space<hbm>> -> memref<8x50x64xf32, #tpu.memory_space<hbm>>
      tpu.enqueue_dma source(%arg7 : memref<8x50x64xf32, #tpu.memory_space<vmem>>) target(%dma_start3A_461 : memref<8x50x64xf32, #tpu.memory_space<hbm>>) target_semaphore(%arg15 : memref<!tpu.dma_semaphore, #tpu.memory_space<semaphore_mem>>)
      %add3A_462 = arith.constant 4 : i32
      %add3A_463 = arith.addi %add3A_444, %add3A_462 : i32
      %sub3A_464 = arith.constant 2 : i32
      %sub3A_465 = arith.subi %add3A_463, %sub3A_464 : i32
      %ge3A_466 = arith.constant 4 : i32
      %ge3A_467 = arith.cmpi sge, %sub3A_465, %ge3A_466 : i32
      %lt3A_468 = arith.constant 64 : i32
      %lt3A_469 = arith.cmpi slt, %sub3A_465, %lt3A_468 : i32
      %and3A_470 = arith.andi %ge3A_467, %lt3A_469 : i1
      %convert_element_type3A_471 = arith.extui %and3A_470 : i1 to i32
      %cond3A_472 = arith.constant 0 : i32
      %cond3A_473 = arith.cmpi ne, %convert_element_type3A_471, %cond3A_472 : i32
      scf.if %cond3A_473 {
        %dma_wait3A_540 = arith.constant 0 : i32
        %dma_wait3A_541 = arith.constant 0 : i32
        %dma_wait3A_542 = tpu.memref_slice %arg4[%mul3A_2, %dma_wait3A_540, %dma_wait3A_541] : memref<16384x50x64xf32, #tpu.memory_space<hbm>> -> memref<8x50x64xf32, #tpu.memory_space<hbm>>
        %dma_wait3A_543 = arith.constant 0 : i32
        %dma_wait3A_544 = arith.constant 0 : i32
        %dma_wait3A_545 = tpu.memref_slice %arg4[%mul3A_2, %dma_wait3A_543, %dma_wait3A_544] : memref<16384x50x64xf32, #tpu.memory_space<hbm>> -> memref<8x50x64xf32, #tpu.memory_space<hbm>>
        tpu.wait_dma2 semaphore(%arg17 : memref<!tpu.dma_semaphore, #tpu.memory_space<semaphore_mem>>) src(%arg9 : memref<8x50x64xf32, #tpu.memory_space<vmem>>) dst(%dma_wait3A_545 : memref<8x50x64xf32, #tpu.memory_space<hbm>>)
        %mul3A_546 = arith.constant 8 : i32
        %mul3A_547 = arith.muli %sub3A_465, %mul3A_546 : i32
        %add3A_548 = arith.constant 0 : i32
        %add3A_549 = arith.addi %mul3A_547, %add3A_548 : i32
        %dma_start3A_550 = arith.constant 0 : i32
        %dma_start3A_551 = arith.constant 0 : i32
        %dma_start3A_552 = arith.constant 0 : i32
        %dma_start3A_553 = tpu.memref_slice %arg9[%dma_start3A_550, %dma_start3A_551, %dma_start3A_552] : memref<8x50x64xf32, #tpu.memory_space<vmem>> -> memref<1x50x64xf32, #tpu.memory_space<vmem>>
        %dma_start3A_554 = tpu.memref_squeeze %dma_start3A_553 : memref<1x50x64xf32, #tpu.memory_space<vmem>> -> memref<50x64xf32, #tpu.memory_space<vmem>>
        %dma_start3A_555 = arith.constant 0 : i32
        %dma_start3A_556 = tpu.memref_slice %arg5[%add3A_549, %dma_start3A_555] : memref<512x50xi32, #tpu.memory_space<vmem>> -> memref<1x50xi32, #tpu.memory_space<vmem>>
        %dma_start3A_557 = tpu.memref_squeeze %dma_start3A_556 : memref<1x50xi32, #tpu.memory_space<vmem>> -> memref<50xi32, #tpu.memory_space<vmem>>
        %dma_start3A_558 = arith.constant 0 : i32
        %dma_start3A_559 = arith.constant 0 : i32
        %dma_start3A_560 = tpu.memref_slice %arg3[%dma_start3A_558, %dma_start3A_559] : memref<1000000x64xf32, #tpu.memory_space<hbm>> -> memref<1000000x64xf32, #tpu.memory_space<hbm>>
        tpu.enqueue_indirect_dma source(%dma_start3A_560 : memref<1000000x64xf32, #tpu.memory_space<hbm>>) target(%dma_start3A_554 : memref<50x64xf32, #tpu.memory_space<vmem>>) offsets(%dma_start3A_557 : memref<50xi32, #tpu.memory_space<vmem>>) semaphore(%arg13 : memref<!tpu.dma_semaphore, #tpu.memory_space<semaphore_mem>>)
        %mul3A_561 = arith.constant 8 : i32
        %mul3A_562 = arith.muli %sub3A_465, %mul3A_561 : i32
        %add3A_563 = arith.constant 1 : i32
        %add3A_564 = arith.addi %mul3A_562, %add3A_563 : i32
        %dma_start3A_565 = arith.constant 1 : i32
        %dma_start3A_566 = arith.constant 0 : i32
        %dma_start3A_567 = arith.constant 0 : i32
        %dma_start3A_568 = tpu.memref_slice %arg9[%dma_start3A_565, %dma_start3A_566, %dma_start3A_567] : memref<8x50x64xf32, #tpu.memory_space<vmem>> -> memref<1x50x64xf32, #tpu.memory_space<vmem>>
        %dma_start3A_569 = tpu.memref_squeeze %dma_start3A_568 : memref<1x50x64xf32, #tpu.memory_space<vmem>> -> memref<50x64xf32, #tpu.memory_space<vmem>>
        %dma_start3A_570 = arith.constant 0 : i32
        %dma_start3A_571 = tpu.memref_slice %arg5[%add3A_564, %dma_start3A_570] : memref<512x50xi32, #tpu.memory_space<vmem>> -> memref<1x50xi32, #tpu.memory_space<vmem>>
        %dma_start3A_572 = tpu.memref_squeeze %dma_start3A_571 : memref<1x50xi32, #tpu.memory_space<vmem>> -> memref<50xi32, #tpu.memory_space<vmem>>
        %dma_start3A_573 = arith.constant 0 : i32
        %dma_start3A_574 = arith.constant 0 : i32
        %dma_start3A_575 = tpu.memref_slice %arg3[%dma_start3A_573, %dma_start3A_574] : memref<1000000x64xf32, #tpu.memory_space<hbm>> -> memref<1000000x64xf32, #tpu.memory_space<hbm>>
        tpu.enqueue_indirect_dma source(%dma_start3A_575 : memref<1000000x64xf32, #tpu.memory_space<hbm>>) target(%dma_start3A_569 : memref<50x64xf32, #tpu.memory_space<vmem>>) offsets(%dma_start3A_572 : memref<50xi32, #tpu.memory_space<vmem>>) semaphore(%arg13 : memref<!tpu.dma_semaphore, #tpu.memory_space<semaphore_mem>>)
        %mul3A_576 = arith.constant 8 : i32
        %mul3A_577 = arith.muli %sub3A_465, %mul3A_576 : i32
        %add3A_578 = arith.constant 2 : i32
        %add3A_579 = arith.addi %mul3A_577, %add3A_578 : i32
        %dma_start3A_580 = arith.constant 2 : i32
        %dma_start3A_581 = arith.constant 0 : i32
        %dma_start3A_582 = arith.constant 0 : i32
        %dma_start3A_583 = tpu.memref_slice %arg9[%dma_start3A_580, %dma_start3A_581, %dma_start3A_582] : memref<8x50x64xf32, #tpu.memory_space<vmem>> -> memref<1x50x64xf32, #tpu.memory_space<vmem>>
        %dma_start3A_584 = tpu.memref_squeeze %dma_start3A_583 : memref<1x50x64xf32, #tpu.memory_space<vmem>> -> memref<50x64xf32, #tpu.memory_space<vmem>>
        %dma_start3A_585 = arith.constant 0 : i32
        %dma_start3A_586 = tpu.memref_slice %arg5[%add3A_579, %dma_start3A_585] : memref<512x50xi32, #tpu.memory_space<vmem>> -> memref<1x50xi32, #tpu.memory_space<vmem>>
        %dma_start3A_587 = tpu.memref_squeeze %dma_start3A_586 : memref<1x50xi32, #tpu.memory_space<vmem>> -> memref<50xi32, #tpu.memory_space<vmem>>
        %dma_start3A_588 = arith.constant 0 : i32
        %dma_start3A_589 = arith.constant 0 : i32
        %dma_start3A_590 = tpu.memref_slice %arg3[%dma_start3A_588, %dma_start3A_589] : memref<1000000x64xf32, #tpu.memory_space<hbm>> -> memref<1000000x64xf32, #tpu.memory_space<hbm>>
        tpu.enqueue_indirect_dma source(%dma_start3A_590 : memref<1000000x64xf32, #tpu.memory_space<hbm>>) target(%dma_start3A_584 : memref<50x64xf32, #tpu.memory_space<vmem>>) offsets(%dma_start3A_587 : memref<50xi32, #tpu.memory_space<vmem>>) semaphore(%arg13 : memref<!tpu.dma_semaphore, #tpu.memory_space<semaphore_mem>>)
        %mul3A_591 = arith.constant 8 : i32
        %mul3A_592 = arith.muli %sub3A_465, %mul3A_591 : i32
        %add3A_593 = arith.constant 3 : i32
        %add3A_594 = arith.addi %mul3A_592, %add3A_593 : i32
        %dma_start3A_595 = arith.constant 3 : i32
        %dma_start3A_596 = arith.constant 0 : i32
        %dma_start3A_597 = arith.constant 0 : i32
        %dma_start3A_598 = tpu.memref_slice %arg9[%dma_start3A_595, %dma_start3A_596, %dma_start3A_597] : memref<8x50x64xf32, #tpu.memory_space<vmem>> -> memref<1x50x64xf32, #tpu.memory_space<vmem>>
        %dma_start3A_599 = tpu.memref_squeeze %dma_start3A_598 : memref<1x50x64xf32, #tpu.memory_space<vmem>> -> memref<50x64xf32, #tpu.memory_space<vmem>>
        %dma_start3A_600 = arith.constant 0 : i32
        %dma_start3A_601 = tpu.memref_slice %arg5[%add3A_594, %dma_start3A_600] : memref<512x50xi32, #tpu.memory_space<vmem>> -> memref<1x50xi32, #tpu.memory_space<vmem>>
        %dma_start3A_602 = tpu.memref_squeeze %dma_start3A_601 : memref<1x50xi32, #tpu.memory_space<vmem>> -> memref<50xi32, #tpu.memory_space<vmem>>
        %dma_start3A_603 = arith.constant 0 : i32
        %dma_start3A_604 = arith.constant 0 : i32
        %dma_start3A_605 = tpu.memref_slice %arg3[%dma_start3A_603, %dma_start3A_604] : memref<1000000x64xf32, #tpu.memory_space<hbm>> -> memref<1000000x64xf32, #tpu.memory_space<hbm>>
        tpu.enqueue_indirect_dma source(%dma_start3A_605 : memref<1000000x64xf32, #tpu.memory_space<hbm>>) target(%dma_start3A_599 : memref<50x64xf32, #tpu.memory_space<vmem>>) offsets(%dma_start3A_602 : memref<50xi32, #tpu.memory_space<vmem>>) semaphore(%arg13 : memref<!tpu.dma_semaphore, #tpu.memory_space<semaphore_mem>>)
        %mul3A_606 = arith.constant 8 : i32
        %mul3A_607 = arith.muli %sub3A_465, %mul3A_606 : i32
        %add3A_608 = arith.constant 4 : i32
        %add3A_609 = arith.addi %mul3A_607, %add3A_608 : i32
        %dma_start3A_610 = arith.constant 4 : i32
        %dma_start3A_611 = arith.constant 0 : i32
        %dma_start3A_612 = arith.constant 0 : i32
        %dma_start3A_613 = tpu.memref_slice %arg9[%dma_start3A_610, %dma_start3A_611, %dma_start3A_612] : memref<8x50x64xf32, #tpu.memory_space<vmem>> -> memref<1x50x64xf32, #tpu.memory_space<vmem>>
        %dma_start3A_614 = tpu.memref_squeeze %dma_start3A_613 : memref<1x50x64xf32, #tpu.memory_space<vmem>> -> memref<50x64xf32, #tpu.memory_space<vmem>>
        %dma_start3A_615 = arith.constant 0 : i32
        %dma_start3A_616 = tpu.memref_slice %arg5[%add3A_609, %dma_start3A_615] : memref<512x50xi32, #tpu.memory_space<vmem>> -> memref<1x50xi32, #tpu.memory_space<vmem>>
        %dma_start3A_617 = tpu.memref_squeeze %dma_start3A_616 : memref<1x50xi32, #tpu.memory_space<vmem>> -> memref<50xi32, #tpu.memory_space<vmem>>
        %dma_start3A_618 = arith.constant 0 : i32
        %dma_start3A_619 = arith.constant 0 : i32
        %dma_start3A_620 = tpu.memref_slice %arg3[%dma_start3A_618, %dma_start3A_619] : memref<1000000x64xf32, #tpu.memory_space<hbm>> -> memref<1000000x64xf32, #tpu.memory_space<hbm>>
        tpu.enqueue_indirect_dma source(%dma_start3A_620 : memref<1000000x64xf32, #tpu.memory_space<hbm>>) target(%dma_start3A_614 : memref<50x64xf32, #tpu.memory_space<vmem>>) offsets(%dma_start3A_617 : memref<50xi32, #tpu.memory_space<vmem>>) semaphore(%arg13 : memref<!tpu.dma_semaphore, #tpu.memory_space<semaphore_mem>>)
        %mul3A_621 = arith.constant 8 : i32
        %mul3A_622 = arith.muli %sub3A_465, %mul3A_621 : i32
        %add3A_623 = arith.constant 5 : i32
        %add3A_624 = arith.addi %mul3A_622, %add3A_623 : i32
        %dma_start3A_625 = arith.constant 5 : i32
        %dma_start3A_626 = arith.constant 0 : i32
        %dma_start3A_627 = arith.constant 0 : i32
        %dma_start3A_628 = tpu.memref_slice %arg9[%dma_start3A_625, %dma_start3A_626, %dma_start3A_627] : memref<8x50x64xf32, #tpu.memory_space<vmem>> -> memref<1x50x64xf32, #tpu.memory_space<vmem>>
        %dma_start3A_629 = tpu.memref_squeeze %dma_start3A_628 : memref<1x50x64xf32, #tpu.memory_space<vmem>> -> memref<50x64xf32, #tpu.memory_space<vmem>>
        %dma_start3A_630 = arith.constant 0 : i32
        %dma_start3A_631 = tpu.memref_slice %arg5[%add3A_624, %dma_start3A_630] : memref<512x50xi32, #tpu.memory_space<vmem>> -> memref<1x50xi32, #tpu.memory_space<vmem>>
        %dma_start3A_632 = tpu.memref_squeeze %dma_start3A_631 : memref<1x50xi32, #tpu.memory_space<vmem>> -> memref<50xi32, #tpu.memory_space<vmem>>
        %dma_start3A_633 = arith.constant 0 : i32
        %dma_start3A_634 = arith.constant 0 : i32
        %dma_start3A_635 = tpu.memref_slice %arg3[%dma_start3A_633, %dma_start3A_634] : memref<1000000x64xf32, #tpu.memory_space<hbm>> -> memref<1000000x64xf32, #tpu.memory_space<hbm>>
        tpu.enqueue_indirect_dma source(%dma_start3A_635 : memref<1000000x64xf32, #tpu.memory_space<hbm>>) target(%dma_start3A_629 : memref<50x64xf32, #tpu.memory_space<vmem>>) offsets(%dma_start3A_632 : memref<50xi32, #tpu.memory_space<vmem>>) semaphore(%arg13 : memref<!tpu.dma_semaphore, #tpu.memory_space<semaphore_mem>>)
        %mul3A_636 = arith.constant 8 : i32
        %mul3A_637 = arith.muli %sub3A_465, %mul3A_636 : i32
        %add3A_638 = arith.constant 6 : i32
        %add3A_639 = arith.addi %mul3A_637, %add3A_638 : i32
        %dma_start3A_640 = arith.constant 6 : i32
        %dma_start3A_641 = arith.constant 0 : i32
        %dma_start3A_642 = arith.constant 0 : i32
        %dma_start3A_643 = tpu.memref_slice %arg9[%dma_start3A_640, %dma_start3A_641, %dma_start3A_642] : memref<8x50x64xf32, #tpu.memory_space<vmem>> -> memref<1x50x64xf32, #tpu.memory_space<vmem>>
        %dma_start3A_644 = tpu.memref_squeeze %dma_start3A_643 : memref<1x50x64xf32, #tpu.memory_space<vmem>> -> memref<50x64xf32, #tpu.memory_space<vmem>>
        %dma_start3A_645 = arith.constant 0 : i32
        %dma_start3A_646 = tpu.memref_slice %arg5[%add3A_639, %dma_start3A_645] : memref<512x50xi32, #tpu.memory_space<vmem>> -> memref<1x50xi32, #tpu.memory_space<vmem>>
        %dma_start3A_647 = tpu.memref_squeeze %dma_start3A_646 : memref<1x50xi32, #tpu.memory_space<vmem>> -> memref<50xi32, #tpu.memory_space<vmem>>
        %dma_start3A_648 = arith.constant 0 : i32
        %dma_start3A_649 = arith.constant 0 : i32
        %dma_start3A_650 = tpu.memref_slice %arg3[%dma_start3A_648, %dma_start3A_649] : memref<1000000x64xf32, #tpu.memory_space<hbm>> -> memref<1000000x64xf32, #tpu.memory_space<hbm>>
        tpu.enqueue_indirect_dma source(%dma_start3A_650 : memref<1000000x64xf32, #tpu.memory_space<hbm>>) target(%dma_start3A_644 : memref<50x64xf32, #tpu.memory_space<vmem>>) offsets(%dma_start3A_647 : memref<50xi32, #tpu.memory_space<vmem>>) semaphore(%arg13 : memref<!tpu.dma_semaphore, #tpu.memory_space<semaphore_mem>>)
        %mul3A_651 = arith.constant 8 : i32
        %mul3A_652 = arith.muli %sub3A_465, %mul3A_651 : i32
        %add3A_653 = arith.constant 7 : i32
        %add3A_654 = arith.addi %mul3A_652, %add3A_653 : i32
        %dma_start3A_655 = arith.constant 7 : i32
        %dma_start3A_656 = arith.constant 0 : i32
        %dma_start3A_657 = arith.constant 0 : i32
        %dma_start3A_658 = tpu.memref_slice %arg9[%dma_start3A_655, %dma_start3A_656, %dma_start3A_657] : memref<8x50x64xf32, #tpu.memory_space<vmem>> -> memref<1x50x64xf32, #tpu.memory_space<vmem>>
        %dma_start3A_659 = tpu.memref_squeeze %dma_start3A_658 : memref<1x50x64xf32, #tpu.memory_space<vmem>> -> memref<50x64xf32, #tpu.memory_space<vmem>>
        %dma_start3A_660 = arith.constant 0 : i32
        %dma_start3A_661 = tpu.memref_slice %arg5[%add3A_654, %dma_start3A_660] : memref<512x50xi32, #tpu.memory_space<vmem>> -> memref<1x50xi32, #tpu.memory_space<vmem>>
        %dma_start3A_662 = tpu.memref_squeeze %dma_start3A_661 : memref<1x50xi32, #tpu.memory_space<vmem>> -> memref<50xi32, #tpu.memory_space<vmem>>
        %dma_start3A_663 = arith.constant 0 : i32
        %dma_start3A_664 = arith.constant 0 : i32
        %dma_start3A_665 = tpu.memref_slice %arg3[%dma_start3A_663, %dma_start3A_664] : memref<1000000x64xf32, #tpu.memory_space<hbm>> -> memref<1000000x64xf32, #tpu.memory_space<hbm>>
        tpu.enqueue_indirect_dma source(%dma_start3A_665 : memref<1000000x64xf32, #tpu.memory_space<hbm>>) target(%dma_start3A_659 : memref<50x64xf32, #tpu.memory_space<vmem>>) offsets(%dma_start3A_662 : memref<50xi32, #tpu.memory_space<vmem>>) semaphore(%arg13 : memref<!tpu.dma_semaphore, #tpu.memory_space<semaphore_mem>>)
      } else {
      }
      %mul3A_474 = arith.constant 4 : i32
      %mul3A_475 = arith.muli %scan3A_413, %mul3A_474 : i32
      %add3A_476 = arith.constant 2 : i32
      %add3A_477 = arith.addi %mul3A_475, %add3A_476 : i32
      %dma_wait3A_478 = arith.constant 0 : i32
      %dma_wait3A_479 = arith.constant 0 : i32
      %dma_wait3A_480 = arith.constant 0 : i32
      %dma_wait3A_481 = tpu.memref_slice %arg4[%dma_wait3A_478, %dma_wait3A_479, %dma_wait3A_480] : memref<16384x50x64xf32, #tpu.memory_space<hbm>> -> memref<8x50x64xf32, #tpu.memory_space<hbm>>
      %dma_wait3A_482 = arith.constant 0 : i32
      %dma_wait3A_483 = arith.constant 0 : i32
      %dma_wait3A_484 = arith.constant 0 : i32
      %dma_wait3A_485 = tpu.memref_slice %arg4[%dma_wait3A_482, %dma_wait3A_483, %dma_wait3A_484] : memref<16384x50x64xf32, #tpu.memory_space<hbm>> -> memref<8x50x64xf32, #tpu.memory_space<hbm>>
      tpu.wait_dma2 semaphore(%arg12 : memref<!tpu.dma_semaphore, #tpu.memory_space<semaphore_mem>>) src(%dma_wait3A_485 : memref<8x50x64xf32, #tpu.memory_space<hbm>>) dst(%arg8 : memref<8x50x64xf32, #tpu.memory_space<vmem>>)
      %mul3A_486 = arith.constant 8 : i32
      %mul3A_487 = arith.muli %add3A_477, %mul3A_486 : i32
      %add3A_488 = arith.addi %mul3A_2, %mul3A_487 : i32
      %dma_start3A_489 = arith.constant 0 : i32
      %dma_start3A_490 = arith.constant 0 : i32
      %dma_start3A_491 = tpu.memref_slice %arg4[%add3A_488, %dma_start3A_489, %dma_start3A_490] : memref<16384x50x64xf32, #tpu.memory_space<hbm>> -> memref<8x50x64xf32, #tpu.memory_space<hbm>>
      %dma_start3A_492 = arith.constant 0 : i32
      %dma_start3A_493 = arith.constant 0 : i32
      %dma_start3A_494 = tpu.memref_slice %arg4[%add3A_488, %dma_start3A_492, %dma_start3A_493] : memref<16384x50x64xf32, #tpu.memory_space<hbm>> -> memref<8x50x64xf32, #tpu.memory_space<hbm>>
      tpu.enqueue_dma source(%arg8 : memref<8x50x64xf32, #tpu.memory_space<vmem>>) target(%dma_start3A_494 : memref<8x50x64xf32, #tpu.memory_space<hbm>>) target_semaphore(%arg16 : memref<!tpu.dma_semaphore, #tpu.memory_space<semaphore_mem>>)
      %add3A_495 = arith.constant 4 : i32
      %add3A_496 = arith.addi %add3A_477, %add3A_495 : i32
      %sub3A_497 = arith.constant 2 : i32
      %sub3A_498 = arith.subi %add3A_496, %sub3A_497 : i32
      %ge3A_499 = arith.constant 4 : i32
      %ge3A_500 = arith.cmpi sge, %sub3A_498, %ge3A_499 : i32
      %lt3A_501 = arith.constant 64 : i32
      %lt3A_502 = arith.cmpi slt, %sub3A_498, %lt3A_501 : i32
      %and3A_503 = arith.andi %ge3A_500, %lt3A_502 : i1
      %convert_element_type3A_504 = arith.extui %and3A_503 : i1 to i32
      %cond3A_505 = arith.constant 0 : i32
      %cond3A_506 = arith.cmpi ne, %convert_element_type3A_504, %cond3A_505 : i32
      scf.if %cond3A_506 {
        %dma_wait3A_540 = arith.constant 0 : i32
        %dma_wait3A_541 = arith.constant 0 : i32
        %dma_wait3A_542 = tpu.memref_slice %arg4[%mul3A_2, %dma_wait3A_540, %dma_wait3A_541] : memref<16384x50x64xf32, #tpu.memory_space<hbm>> -> memref<8x50x64xf32, #tpu.memory_space<hbm>>
        %dma_wait3A_543 = arith.constant 0 : i32
        %dma_wait3A_544 = arith.constant 0 : i32
        %dma_wait3A_545 = tpu.memref_slice %arg4[%mul3A_2, %dma_wait3A_543, %dma_wait3A_544] : memref<16384x50x64xf32, #tpu.memory_space<hbm>> -> memref<8x50x64xf32, #tpu.memory_space<hbm>>
        tpu.wait_dma2 semaphore(%arg14 : memref<!tpu.dma_semaphore, #tpu.memory_space<semaphore_mem>>) src(%arg6 : memref<8x50x64xf32, #tpu.memory_space<vmem>>) dst(%dma_wait3A_545 : memref<8x50x64xf32, #tpu.memory_space<hbm>>)
        %mul3A_546 = arith.constant 8 : i32
        %mul3A_547 = arith.muli %sub3A_498, %mul3A_546 : i32
        %add3A_548 = arith.constant 0 : i32
        %add3A_549 = arith.addi %mul3A_547, %add3A_548 : i32
        %dma_start3A_550 = arith.constant 0 : i32
        %dma_start3A_551 = arith.constant 0 : i32
        %dma_start3A_552 = arith.constant 0 : i32
        %dma_start3A_553 = tpu.memref_slice %arg6[%dma_start3A_550, %dma_start3A_551, %dma_start3A_552] : memref<8x50x64xf32, #tpu.memory_space<vmem>> -> memref<1x50x64xf32, #tpu.memory_space<vmem>>
        %dma_start3A_554 = tpu.memref_squeeze %dma_start3A_553 : memref<1x50x64xf32, #tpu.memory_space<vmem>> -> memref<50x64xf32, #tpu.memory_space<vmem>>
        %dma_start3A_555 = arith.constant 0 : i32
        %dma_start3A_556 = tpu.memref_slice %arg5[%add3A_549, %dma_start3A_555] : memref<512x50xi32, #tpu.memory_space<vmem>> -> memref<1x50xi32, #tpu.memory_space<vmem>>
        %dma_start3A_557 = tpu.memref_squeeze %dma_start3A_556 : memref<1x50xi32, #tpu.memory_space<vmem>> -> memref<50xi32, #tpu.memory_space<vmem>>
        %dma_start3A_558 = arith.constant 0 : i32
        %dma_start3A_559 = arith.constant 0 : i32
        %dma_start3A_560 = tpu.memref_slice %arg3[%dma_start3A_558, %dma_start3A_559] : memref<1000000x64xf32, #tpu.memory_space<hbm>> -> memref<1000000x64xf32, #tpu.memory_space<hbm>>
        tpu.enqueue_indirect_dma source(%dma_start3A_560 : memref<1000000x64xf32, #tpu.memory_space<hbm>>) target(%dma_start3A_554 : memref<50x64xf32, #tpu.memory_space<vmem>>) offsets(%dma_start3A_557 : memref<50xi32, #tpu.memory_space<vmem>>) semaphore(%arg10 : memref<!tpu.dma_semaphore, #tpu.memory_space<semaphore_mem>>)
        %mul3A_561 = arith.constant 8 : i32
        %mul3A_562 = arith.muli %sub3A_498, %mul3A_561 : i32
        %add3A_563 = arith.constant 1 : i32
        %add3A_564 = arith.addi %mul3A_562, %add3A_563 : i32
        %dma_start3A_565 = arith.constant 1 : i32
        %dma_start3A_566 = arith.constant 0 : i32
        %dma_start3A_567 = arith.constant 0 : i32
        %dma_start3A_568 = tpu.memref_slice %arg6[%dma_start3A_565, %dma_start3A_566, %dma_start3A_567] : memref<8x50x64xf32, #tpu.memory_space<vmem>> -> memref<1x50x64xf32, #tpu.memory_space<vmem>>
        %dma_start3A_569 = tpu.memref_squeeze %dma_start3A_568 : memref<1x50x64xf32, #tpu.memory_space<vmem>> -> memref<50x64xf32, #tpu.memory_space<vmem>>
        %dma_start3A_570 = arith.constant 0 : i32
        %dma_start3A_571 = tpu.memref_slice %arg5[%add3A_564, %dma_start3A_570] : memref<512x50xi32, #tpu.memory_space<vmem>> -> memref<1x50xi32, #tpu.memory_space<vmem>>
        %dma_start3A_572 = tpu.memref_squeeze %dma_start3A_571 : memref<1x50xi32, #tpu.memory_space<vmem>> -> memref<50xi32, #tpu.memory_space<vmem>>
        %dma_start3A_573 = arith.constant 0 : i32
        %dma_start3A_574 = arith.constant 0 : i32
        %dma_start3A_575 = tpu.memref_slice %arg3[%dma_start3A_573, %dma_start3A_574] : memref<1000000x64xf32, #tpu.memory_space<hbm>> -> memref<1000000x64xf32, #tpu.memory_space<hbm>>
        tpu.enqueue_indirect_dma source(%dma_start3A_575 : memref<1000000x64xf32, #tpu.memory_space<hbm>>) target(%dma_start3A_569 : memref<50x64xf32, #tpu.memory_space<vmem>>) offsets(%dma_start3A_572 : memref<50xi32, #tpu.memory_space<vmem>>) semaphore(%arg10 : memref<!tpu.dma_semaphore, #tpu.memory_space<semaphore_mem>>)
        %mul3A_576 = arith.constant 8 : i32
        %mul3A_577 = arith.muli %sub3A_498, %mul3A_576 : i32
        %add3A_578 = arith.constant 2 : i32
        %add3A_579 = arith.addi %mul3A_577, %add3A_578 : i32
        %dma_start3A_580 = arith.constant 2 : i32
        %dma_start3A_581 = arith.constant 0 : i32
        %dma_start3A_582 = arith.constant 0 : i32
        %dma_start3A_583 = tpu.memref_slice %arg6[%dma_start3A_580, %dma_start3A_581, %dma_start3A_582] : memref<8x50x64xf32, #tpu.memory_space<vmem>> -> memref<1x50x64xf32, #tpu.memory_space<vmem>>
        %dma_start3A_584 = tpu.memref_squeeze %dma_start3A_583 : memref<1x50x64xf32, #tpu.memory_space<vmem>> -> memref<50x64xf32, #tpu.memory_space<vmem>>
        %dma_start3A_585 = arith.constant 0 : i32
        %dma_start3A_586 = tpu.memref_slice %arg5[%add3A_579, %dma_start3A_585] : memref<512x50xi32, #tpu.memory_space<vmem>> -> memref<1x50xi32, #tpu.memory_space<vmem>>
        %dma_start3A_587 = tpu.memref_squeeze %dma_start3A_586 : memref<1x50xi32, #tpu.memory_space<vmem>> -> memref<50xi32, #tpu.memory_space<vmem>>
        %dma_start3A_588 = arith.constant 0 : i32
        %dma_start3A_589 = arith.constant 0 : i32
        %dma_start3A_590 = tpu.memref_slice %arg3[%dma_start3A_588, %dma_start3A_589] : memref<1000000x64xf32, #tpu.memory_space<hbm>> -> memref<1000000x64xf32, #tpu.memory_space<hbm>>
        tpu.enqueue_indirect_dma source(%dma_start3A_590 : memref<1000000x64xf32, #tpu.memory_space<hbm>>) target(%dma_start3A_584 : memref<50x64xf32, #tpu.memory_space<vmem>>) offsets(%dma_start3A_587 : memref<50xi32, #tpu.memory_space<vmem>>) semaphore(%arg10 : memref<!tpu.dma_semaphore, #tpu.memory_space<semaphore_mem>>)
        %mul3A_591 = arith.constant 8 : i32
        %mul3A_592 = arith.muli %sub3A_498, %mul3A_591 : i32
        %add3A_593 = arith.constant 3 : i32
        %add3A_594 = arith.addi %mul3A_592, %add3A_593 : i32
        %dma_start3A_595 = arith.constant 3 : i32
        %dma_start3A_596 = arith.constant 0 : i32
        %dma_start3A_597 = arith.constant 0 : i32
        %dma_start3A_598 = tpu.memref_slice %arg6[%dma_start3A_595, %dma_start3A_596, %dma_start3A_597] : memref<8x50x64xf32, #tpu.memory_space<vmem>> -> memref<1x50x64xf32, #tpu.memory_space<vmem>>
        %dma_start3A_599 = tpu.memref_squeeze %dma_start3A_598 : memref<1x50x64xf32, #tpu.memory_space<vmem>> -> memref<50x64xf32, #tpu.memory_space<vmem>>
        %dma_start3A_600 = arith.constant 0 : i32
        %dma_start3A_601 = tpu.memref_slice %arg5[%add3A_594, %dma_start3A_600] : memref<512x50xi32, #tpu.memory_space<vmem>> -> memref<1x50xi32, #tpu.memory_space<vmem>>
        %dma_start3A_602 = tpu.memref_squeeze %dma_start3A_601 : memref<1x50xi32, #tpu.memory_space<vmem>> -> memref<50xi32, #tpu.memory_space<vmem>>
        %dma_start3A_603 = arith.constant 0 : i32
        %dma_start3A_604 = arith.constant 0 : i32
        %dma_start3A_605 = tpu.memref_slice %arg3[%dma_start3A_603, %dma_start3A_604] : memref<1000000x64xf32, #tpu.memory_space<hbm>> -> memref<1000000x64xf32, #tpu.memory_space<hbm>>
        tpu.enqueue_indirect_dma source(%dma_start3A_605 : memref<1000000x64xf32, #tpu.memory_space<hbm>>) target(%dma_start3A_599 : memref<50x64xf32, #tpu.memory_space<vmem>>) offsets(%dma_start3A_602 : memref<50xi32, #tpu.memory_space<vmem>>) semaphore(%arg10 : memref<!tpu.dma_semaphore, #tpu.memory_space<semaphore_mem>>)
        %mul3A_606 = arith.constant 8 : i32
        %mul3A_607 = arith.muli %sub3A_498, %mul3A_606 : i32
        %add3A_608 = arith.constant 4 : i32
        %add3A_609 = arith.addi %mul3A_607, %add3A_608 : i32
        %dma_start3A_610 = arith.constant 4 : i32
        %dma_start3A_611 = arith.constant 0 : i32
        %dma_start3A_612 = arith.constant 0 : i32
        %dma_start3A_613 = tpu.memref_slice %arg6[%dma_start3A_610, %dma_start3A_611, %dma_start3A_612] : memref<8x50x64xf32, #tpu.memory_space<vmem>> -> memref<1x50x64xf32, #tpu.memory_space<vmem>>
        %dma_start3A_614 = tpu.memref_squeeze %dma_start3A_613 : memref<1x50x64xf32, #tpu.memory_space<vmem>> -> memref<50x64xf32, #tpu.memory_space<vmem>>
        %dma_start3A_615 = arith.constant 0 : i32
        %dma_start3A_616 = tpu.memref_slice %arg5[%add3A_609, %dma_start3A_615] : memref<512x50xi32, #tpu.memory_space<vmem>> -> memref<1x50xi32, #tpu.memory_space<vmem>>
        %dma_start3A_617 = tpu.memref_squeeze %dma_start3A_616 : memref<1x50xi32, #tpu.memory_space<vmem>> -> memref<50xi32, #tpu.memory_space<vmem>>
        %dma_start3A_618 = arith.constant 0 : i32
        %dma_start3A_619 = arith.constant 0 : i32
        %dma_start3A_620 = tpu.memref_slice %arg3[%dma_start3A_618, %dma_start3A_619] : memref<1000000x64xf32, #tpu.memory_space<hbm>> -> memref<1000000x64xf32, #tpu.memory_space<hbm>>
        tpu.enqueue_indirect_dma source(%dma_start3A_620 : memref<1000000x64xf32, #tpu.memory_space<hbm>>) target(%dma_start3A_614 : memref<50x64xf32, #tpu.memory_space<vmem>>) offsets(%dma_start3A_617 : memref<50xi32, #tpu.memory_space<vmem>>) semaphore(%arg10 : memref<!tpu.dma_semaphore, #tpu.memory_space<semaphore_mem>>)
        %mul3A_621 = arith.constant 8 : i32
        %mul3A_622 = arith.muli %sub3A_498, %mul3A_621 : i32
        %add3A_623 = arith.constant 5 : i32
        %add3A_624 = arith.addi %mul3A_622, %add3A_623 : i32
        %dma_start3A_625 = arith.constant 5 : i32
        %dma_start3A_626 = arith.constant 0 : i32
        %dma_start3A_627 = arith.constant 0 : i32
        %dma_start3A_628 = tpu.memref_slice %arg6[%dma_start3A_625, %dma_start3A_626, %dma_start3A_627] : memref<8x50x64xf32, #tpu.memory_space<vmem>> -> memref<1x50x64xf32, #tpu.memory_space<vmem>>
        %dma_start3A_629 = tpu.memref_squeeze %dma_start3A_628 : memref<1x50x64xf32, #tpu.memory_space<vmem>> -> memref<50x64xf32, #tpu.memory_space<vmem>>
        %dma_start3A_630 = arith.constant 0 : i32
        %dma_start3A_631 = tpu.memref_slice %arg5[%add3A_624, %dma_start3A_630] : memref<512x50xi32, #tpu.memory_space<vmem>> -> memref<1x50xi32, #tpu.memory_space<vmem>>
        %dma_start3A_632 = tpu.memref_squeeze %dma_start3A_631 : memref<1x50xi32, #tpu.memory_space<vmem>> -> memref<50xi32, #tpu.memory_space<vmem>>
        %dma_start3A_633 = arith.constant 0 : i32
        %dma_start3A_634 = arith.constant 0 : i32
        %dma_start3A_635 = tpu.memref_slice %arg3[%dma_start3A_633, %dma_start3A_634] : memref<1000000x64xf32, #tpu.memory_space<hbm>> -> memref<1000000x64xf32, #tpu.memory_space<hbm>>
        tpu.enqueue_indirect_dma source(%dma_start3A_635 : memref<1000000x64xf32, #tpu.memory_space<hbm>>) target(%dma_start3A_629 : memref<50x64xf32, #tpu.memory_space<vmem>>) offsets(%dma_start3A_632 : memref<50xi32, #tpu.memory_space<vmem>>) semaphore(%arg10 : memref<!tpu.dma_semaphore, #tpu.memory_space<semaphore_mem>>)
        %mul3A_636 = arith.constant 8 : i32
        %mul3A_637 = arith.muli %sub3A_498, %mul3A_636 : i32
        %add3A_638 = arith.constant 6 : i32
        %add3A_639 = arith.addi %mul3A_637, %add3A_638 : i32
        %dma_start3A_640 = arith.constant 6 : i32
        %dma_start3A_641 = arith.constant 0 : i32
        %dma_start3A_642 = arith.constant 0 : i32
        %dma_start3A_643 = tpu.memref_slice %arg6[%dma_start3A_640, %dma_start3A_641, %dma_start3A_642] : memref<8x50x64xf32, #tpu.memory_space<vmem>> -> memref<1x50x64xf32, #tpu.memory_space<vmem>>
        %dma_start3A_644 = tpu.memref_squeeze %dma_start3A_643 : memref<1x50x64xf32, #tpu.memory_space<vmem>> -> memref<50x64xf32, #tpu.memory_space<vmem>>
        %dma_start3A_645 = arith.constant 0 : i32
        %dma_start3A_646 = tpu.memref_slice %arg5[%add3A_639, %dma_start3A_645] : memref<512x50xi32, #tpu.memory_space<vmem>> -> memref<1x50xi32, #tpu.memory_space<vmem>>
        %dma_start3A_647 = tpu.memref_squeeze %dma_start3A_646 : memref<1x50xi32, #tpu.memory_space<vmem>> -> memref<50xi32, #tpu.memory_space<vmem>>
        %dma_start3A_648 = arith.constant 0 : i32
        %dma_start3A_649 = arith.constant 0 : i32
        %dma_start3A_650 = tpu.memref_slice %arg3[%dma_start3A_648, %dma_start3A_649] : memref<1000000x64xf32, #tpu.memory_space<hbm>> -> memref<1000000x64xf32, #tpu.memory_space<hbm>>
        tpu.enqueue_indirect_dma source(%dma_start3A_650 : memref<1000000x64xf32, #tpu.memory_space<hbm>>) target(%dma_start3A_644 : memref<50x64xf32, #tpu.memory_space<vmem>>) offsets(%dma_start3A_647 : memref<50xi32, #tpu.memory_space<vmem>>) semaphore(%arg10 : memref<!tpu.dma_semaphore, #tpu.memory_space<semaphore_mem>>)
        %mul3A_651 = arith.constant 8 : i32
        %mul3A_652 = arith.muli %sub3A_498, %mul3A_651 : i32
        %add3A_653 = arith.constant 7 : i32
        %add3A_654 = arith.addi %mul3A_652, %add3A_653 : i32
        %dma_start3A_655 = arith.constant 7 : i32
        %dma_start3A_656 = arith.constant 0 : i32
        %dma_start3A_657 = arith.constant 0 : i32
        %dma_start3A_658 = tpu.memref_slice %arg6[%dma_start3A_655, %dma_start3A_656, %dma_start3A_657] : memref<8x50x64xf32, #tpu.memory_space<vmem>> -> memref<1x50x64xf32, #tpu.memory_space<vmem>>
        %dma_start3A_659 = tpu.memref_squeeze %dma_start3A_658 : memref<1x50x64xf32, #tpu.memory_space<vmem>> -> memref<50x64xf32, #tpu.memory_space<vmem>>
        %dma_start3A_660 = arith.constant 0 : i32
        %dma_start3A_661 = tpu.memref_slice %arg5[%add3A_654, %dma_start3A_660] : memref<512x50xi32, #tpu.memory_space<vmem>> -> memref<1x50xi32, #tpu.memory_space<vmem>>
        %dma_start3A_662 = tpu.memref_squeeze %dma_start3A_661 : memref<1x50xi32, #tpu.memory_space<vmem>> -> memref<50xi32, #tpu.memory_space<vmem>>
        %dma_start3A_663 = arith.constant 0 : i32
        %dma_start3A_664 = arith.constant 0 : i32
        %dma_start3A_665 = tpu.memref_slice %arg3[%dma_start3A_663, %dma_start3A_664] : memref<1000000x64xf32, #tpu.memory_space<hbm>> -> memref<1000000x64xf32, #tpu.memory_space<hbm>>
        tpu.enqueue_indirect_dma source(%dma_start3A_665 : memref<1000000x64xf32, #tpu.memory_space<hbm>>) target(%dma_start3A_659 : memref<50x64xf32, #tpu.memory_space<vmem>>) offsets(%dma_start3A_662 : memref<50xi32, #tpu.memory_space<vmem>>) semaphore(%arg10 : memref<!tpu.dma_semaphore, #tpu.memory_space<semaphore_mem>>)
      } else {
      }
      %mul3A_507 = arith.constant 4 : i32
      %mul3A_508 = arith.muli %scan3A_413, %mul3A_507 : i32
      %add3A_509 = arith.constant 3 : i32
      %add3A_510 = arith.addi %mul3A_508, %add3A_509 : i32
      %dma_wait3A_511 = arith.constant 0 : i32
      %dma_wait3A_512 = arith.constant 0 : i32
      %dma_wait3A_513 = arith.constant 0 : i32
      %dma_wait3A_514 = tpu.memref_slice %arg4[%dma_wait3A_511, %dma_wait3A_512, %dma_wait3A_513] : memref<16384x50x64xf32, #tpu.memory_space<hbm>> -> memref<8x50x64xf32, #tpu.memory_space<hbm>>
      %dma_wait3A_515 = arith.constant 0 : i32
      %dma_wait3A_516 = arith.constant 0 : i32
      %dma_wait3A_517 = arith.constant 0 : i32
      %dma_wait3A_518 = tpu.memref_slice %arg4[%dma_wait3A_515, %dma_wait3A_516, %dma_wait3A_517] : memref<16384x50x64xf32, #tpu.memory_space<hbm>> -> memref<8x50x64xf32, #tpu.memory_space<hbm>>
      tpu.wait_dma2 semaphore(%arg13 : memref<!tpu.dma_semaphore, #tpu.memory_space<semaphore_mem>>) src(%dma_wait3A_518 : memref<8x50x64xf32, #tpu.memory_space<hbm>>) dst(%arg9 : memref<8x50x64xf32, #tpu.memory_space<vmem>>)
      %mul3A_519 = arith.constant 8 : i32
      %mul3A_520 = arith.muli %add3A_510, %mul3A_519 : i32
      %add3A_521 = arith.addi %mul3A_2, %mul3A_520 : i32
      %dma_start3A_522 = arith.constant 0 : i32
      %dma_start3A_523 = arith.constant 0 : i32
      %dma_start3A_524 = tpu.memref_slice %arg4[%add3A_521, %dma_start3A_522, %dma_start3A_523] : memref<16384x50x64xf32, #tpu.memory_space<hbm>> -> memref<8x50x64xf32, #tpu.memory_space<hbm>>
      %dma_start3A_525 = arith.constant 0 : i32
      %dma_start3A_526 = arith.constant 0 : i32
      %dma_start3A_527 = tpu.memref_slice %arg4[%add3A_521, %dma_start3A_525, %dma_start3A_526] : memref<16384x50x64xf32, #tpu.memory_space<hbm>> -> memref<8x50x64xf32, #tpu.memory_space<hbm>>
      tpu.enqueue_dma source(%arg9 : memref<8x50x64xf32, #tpu.memory_space<vmem>>) target(%dma_start3A_527 : memref<8x50x64xf32, #tpu.memory_space<hbm>>) target_semaphore(%arg17 : memref<!tpu.dma_semaphore, #tpu.memory_space<semaphore_mem>>)
      %add3A_528 = arith.constant 4 : i32
      %add3A_529 = arith.addi %add3A_510, %add3A_528 : i32
      %sub3A_530 = arith.constant 2 : i32
      %sub3A_531 = arith.subi %add3A_529, %sub3A_530 : i32
      %ge3A_532 = arith.constant 4 : i32
      %ge3A_533 = arith.cmpi sge, %sub3A_531, %ge3A_532 : i32
      %lt3A_534 = arith.constant 64 : i32
      %lt3A_535 = arith.cmpi slt, %sub3A_531, %lt3A_534 : i32
      %and3A_536 = arith.andi %ge3A_533, %lt3A_535 : i1
      %convert_element_type3A_537 = arith.extui %and3A_536 : i1 to i32
      %cond3A_538 = arith.constant 0 : i32
      %cond3A_539 = arith.cmpi ne, %convert_element_type3A_537, %cond3A_538 : i32
      scf.if %cond3A_539 {
        %dma_wait3A_540 = arith.constant 0 : i32
        %dma_wait3A_541 = arith.constant 0 : i32
        %dma_wait3A_542 = tpu.memref_slice %arg4[%mul3A_2, %dma_wait3A_540, %dma_wait3A_541] : memref<16384x50x64xf32, #tpu.memory_space<hbm>> -> memref<8x50x64xf32, #tpu.memory_space<hbm>>
        %dma_wait3A_543 = arith.constant 0 : i32
        %dma_wait3A_544 = arith.constant 0 : i32
        %dma_wait3A_545 = tpu.memref_slice %arg4[%mul3A_2, %dma_wait3A_543, %dma_wait3A_544] : memref<16384x50x64xf32, #tpu.memory_space<hbm>> -> memref<8x50x64xf32, #tpu.memory_space<hbm>>
        tpu.wait_dma2 semaphore(%arg15 : memref<!tpu.dma_semaphore, #tpu.memory_space<semaphore_mem>>) src(%arg7 : memref<8x50x64xf32, #tpu.memory_space<vmem>>) dst(%dma_wait3A_545 : memref<8x50x64xf32, #tpu.memory_space<hbm>>)
        %mul3A_546 = arith.constant 8 : i32
        %mul3A_547 = arith.muli %sub3A_531, %mul3A_546 : i32
        %add3A_548 = arith.constant 0 : i32
        %add3A_549 = arith.addi %mul3A_547, %add3A_548 : i32
        %dma_start3A_550 = arith.constant 0 : i32
        %dma_start3A_551 = arith.constant 0 : i32
        %dma_start3A_552 = arith.constant 0 : i32
        %dma_start3A_553 = tpu.memref_slice %arg7[%dma_start3A_550, %dma_start3A_551, %dma_start3A_552] : memref<8x50x64xf32, #tpu.memory_space<vmem>> -> memref<1x50x64xf32, #tpu.memory_space<vmem>>
        %dma_start3A_554 = tpu.memref_squeeze %dma_start3A_553 : memref<1x50x64xf32, #tpu.memory_space<vmem>> -> memref<50x64xf32, #tpu.memory_space<vmem>>
        %dma_start3A_555 = arith.constant 0 : i32
        %dma_start3A_556 = tpu.memref_slice %arg5[%add3A_549, %dma_start3A_555] : memref<512x50xi32, #tpu.memory_space<vmem>> -> memref<1x50xi32, #tpu.memory_space<vmem>>
        %dma_start3A_557 = tpu.memref_squeeze %dma_start3A_556 : memref<1x50xi32, #tpu.memory_space<vmem>> -> memref<50xi32, #tpu.memory_space<vmem>>
        %dma_start3A_558 = arith.constant 0 : i32
        %dma_start3A_559 = arith.constant 0 : i32
        %dma_start3A_560 = tpu.memref_slice %arg3[%dma_start3A_558, %dma_start3A_559] : memref<1000000x64xf32, #tpu.memory_space<hbm>> -> memref<1000000x64xf32, #tpu.memory_space<hbm>>
        tpu.enqueue_indirect_dma source(%dma_start3A_560 : memref<1000000x64xf32, #tpu.memory_space<hbm>>) target(%dma_start3A_554 : memref<50x64xf32, #tpu.memory_space<vmem>>) offsets(%dma_start3A_557 : memref<50xi32, #tpu.memory_space<vmem>>) semaphore(%arg11 : memref<!tpu.dma_semaphore, #tpu.memory_space<semaphore_mem>>)
        %mul3A_561 = arith.constant 8 : i32
        %mul3A_562 = arith.muli %sub3A_531, %mul3A_561 : i32
        %add3A_563 = arith.constant 1 : i32
        %add3A_564 = arith.addi %mul3A_562, %add3A_563 : i32
        %dma_start3A_565 = arith.constant 1 : i32
        %dma_start3A_566 = arith.constant 0 : i32
        %dma_start3A_567 = arith.constant 0 : i32
        %dma_start3A_568 = tpu.memref_slice %arg7[%dma_start3A_565, %dma_start3A_566, %dma_start3A_567] : memref<8x50x64xf32, #tpu.memory_space<vmem>> -> memref<1x50x64xf32, #tpu.memory_space<vmem>>
        %dma_start3A_569 = tpu.memref_squeeze %dma_start3A_568 : memref<1x50x64xf32, #tpu.memory_space<vmem>> -> memref<50x64xf32, #tpu.memory_space<vmem>>
        %dma_start3A_570 = arith.constant 0 : i32
        %dma_start3A_571 = tpu.memref_slice %arg5[%add3A_564, %dma_start3A_570] : memref<512x50xi32, #tpu.memory_space<vmem>> -> memref<1x50xi32, #tpu.memory_space<vmem>>
        %dma_start3A_572 = tpu.memref_squeeze %dma_start3A_571 : memref<1x50xi32, #tpu.memory_space<vmem>> -> memref<50xi32, #tpu.memory_space<vmem>>
        %dma_start3A_573 = arith.constant 0 : i32
        %dma_start3A_574 = arith.constant 0 : i32
        %dma_start3A_575 = tpu.memref_slice %arg3[%dma_start3A_573, %dma_start3A_574] : memref<1000000x64xf32, #tpu.memory_space<hbm>> -> memref<1000000x64xf32, #tpu.memory_space<hbm>>
        tpu.enqueue_indirect_dma source(%dma_start3A_575 : memref<1000000x64xf32, #tpu.memory_space<hbm>>) target(%dma_start3A_569 : memref<50x64xf32, #tpu.memory_space<vmem>>) offsets(%dma_start3A_572 : memref<50xi32, #tpu.memory_space<vmem>>) semaphore(%arg11 : memref<!tpu.dma_semaphore, #tpu.memory_space<semaphore_mem>>)
        %mul3A_576 = arith.constant 8 : i32
        %mul3A_577 = arith.muli %sub3A_531, %mul3A_576 : i32
        %add3A_578 = arith.constant 2 : i32
        %add3A_579 = arith.addi %mul3A_577, %add3A_578 : i32
        %dma_start3A_580 = arith.constant 2 : i32
        %dma_start3A_581 = arith.constant 0 : i32
        %dma_start3A_582 = arith.constant 0 : i32
        %dma_start3A_583 = tpu.memref_slice %arg7[%dma_start3A_580, %dma_start3A_581, %dma_start3A_582] : memref<8x50x64xf32, #tpu.memory_space<vmem>> -> memref<1x50x64xf32, #tpu.memory_space<vmem>>
        %dma_start3A_584 = tpu.memref_squeeze %dma_start3A_583 : memref<1x50x64xf32, #tpu.memory_space<vmem>> -> memref<50x64xf32, #tpu.memory_space<vmem>>
        %dma_start3A_585 = arith.constant 0 : i32
        %dma_start3A_586 = tpu.memref_slice %arg5[%add3A_579, %dma_start3A_585] : memref<512x50xi32, #tpu.memory_space<vmem>> -> memref<1x50xi32, #tpu.memory_space<vmem>>
        %dma_start3A_587 = tpu.memref_squeeze %dma_start3A_586 : memref<1x50xi32, #tpu.memory_space<vmem>> -> memref<50xi32, #tpu.memory_space<vmem>>
        %dma_start3A_588 = arith.constant 0 : i32
        %dma_start3A_589 = arith.constant 0 : i32
        %dma_start3A_590 = tpu.memref_slice %arg3[%dma_start3A_588, %dma_start3A_589] : memref<1000000x64xf32, #tpu.memory_space<hbm>> -> memref<1000000x64xf32, #tpu.memory_space<hbm>>
        tpu.enqueue_indirect_dma source(%dma_start3A_590 : memref<1000000x64xf32, #tpu.memory_space<hbm>>) target(%dma_start3A_584 : memref<50x64xf32, #tpu.memory_space<vmem>>) offsets(%dma_start3A_587 : memref<50xi32, #tpu.memory_space<vmem>>) semaphore(%arg11 : memref<!tpu.dma_semaphore, #tpu.memory_space<semaphore_mem>>)
        %mul3A_591 = arith.constant 8 : i32
        %mul3A_592 = arith.muli %sub3A_531, %mul3A_591 : i32
        %add3A_593 = arith.constant 3 : i32
        %add3A_594 = arith.addi %mul3A_592, %add3A_593 : i32
        %dma_start3A_595 = arith.constant 3 : i32
        %dma_start3A_596 = arith.constant 0 : i32
        %dma_start3A_597 = arith.constant 0 : i32
        %dma_start3A_598 = tpu.memref_slice %arg7[%dma_start3A_595, %dma_start3A_596, %dma_start3A_597] : memref<8x50x64xf32, #tpu.memory_space<vmem>> -> memref<1x50x64xf32, #tpu.memory_space<vmem>>
        %dma_start3A_599 = tpu.memref_squeeze %dma_start3A_598 : memref<1x50x64xf32, #tpu.memory_space<vmem>> -> memref<50x64xf32, #tpu.memory_space<vmem>>
        %dma_start3A_600 = arith.constant 0 : i32
        %dma_start3A_601 = tpu.memref_slice %arg5[%add3A_594, %dma_start3A_600] : memref<512x50xi32, #tpu.memory_space<vmem>> -> memref<1x50xi32, #tpu.memory_space<vmem>>
        %dma_start3A_602 = tpu.memref_squeeze %dma_start3A_601 : memref<1x50xi32, #tpu.memory_space<vmem>> -> memref<50xi32, #tpu.memory_space<vmem>>
        %dma_start3A_603 = arith.constant 0 : i32
        %dma_start3A_604 = arith.constant 0 : i32
        %dma_start3A_605 = tpu.memref_slice %arg3[%dma_start3A_603, %dma_start3A_604] : memref<1000000x64xf32, #tpu.memory_space<hbm>> -> memref<1000000x64xf32, #tpu.memory_space<hbm>>
        tpu.enqueue_indirect_dma source(%dma_start3A_605 : memref<1000000x64xf32, #tpu.memory_space<hbm>>) target(%dma_start3A_599 : memref<50x64xf32, #tpu.memory_space<vmem>>) offsets(%dma_start3A_602 : memref<50xi32, #tpu.memory_space<vmem>>) semaphore(%arg11 : memref<!tpu.dma_semaphore, #tpu.memory_space<semaphore_mem>>)
        %mul3A_606 = arith.constant 8 : i32
        %mul3A_607 = arith.muli %sub3A_531, %mul3A_606 : i32
        %add3A_608 = arith.constant 4 : i32
        %add3A_609 = arith.addi %mul3A_607, %add3A_608 : i32
        %dma_start3A_610 = arith.constant 4 : i32
        %dma_start3A_611 = arith.constant 0 : i32
        %dma_start3A_612 = arith.constant 0 : i32
        %dma_start3A_613 = tpu.memref_slice %arg7[%dma_start3A_610, %dma_start3A_611, %dma_start3A_612] : memref<8x50x64xf32, #tpu.memory_space<vmem>> -> memref<1x50x64xf32, #tpu.memory_space<vmem>>
        %dma_start3A_614 = tpu.memref_squeeze %dma_start3A_613 : memref<1x50x64xf32, #tpu.memory_space<vmem>> -> memref<50x64xf32, #tpu.memory_space<vmem>>
        %dma_start3A_615 = arith.constant 0 : i32
        %dma_start3A_616 = tpu.memref_slice %arg5[%add3A_609, %dma_start3A_615] : memref<512x50xi32, #tpu.memory_space<vmem>> -> memref<1x50xi32, #tpu.memory_space<vmem>>
        %dma_start3A_617 = tpu.memref_squeeze %dma_start3A_616 : memref<1x50xi32, #tpu.memory_space<vmem>> -> memref<50xi32, #tpu.memory_space<vmem>>
        %dma_start3A_618 = arith.constant 0 : i32
        %dma_start3A_619 = arith.constant 0 : i32
        %dma_start3A_620 = tpu.memref_slice %arg3[%dma_start3A_618, %dma_start3A_619] : memref<1000000x64xf32, #tpu.memory_space<hbm>> -> memref<1000000x64xf32, #tpu.memory_space<hbm>>
        tpu.enqueue_indirect_dma source(%dma_start3A_620 : memref<1000000x64xf32, #tpu.memory_space<hbm>>) target(%dma_start3A_614 : memref<50x64xf32, #tpu.memory_space<vmem>>) offsets(%dma_start3A_617 : memref<50xi32, #tpu.memory_space<vmem>>) semaphore(%arg11 : memref<!tpu.dma_semaphore, #tpu.memory_space<semaphore_mem>>)
        %mul3A_621 = arith.constant 8 : i32
        %mul3A_622 = arith.muli %sub3A_531, %mul3A_621 : i32
        %add3A_623 = arith.constant 5 : i32
        %add3A_624 = arith.addi %mul3A_622, %add3A_623 : i32
        %dma_start3A_625 = arith.constant 5 : i32
        %dma_start3A_626 = arith.constant 0 : i32
        %dma_start3A_627 = arith.constant 0 : i32
        %dma_start3A_628 = tpu.memref_slice %arg7[%dma_start3A_625, %dma_start3A_626, %dma_start3A_627] : memref<8x50x64xf32, #tpu.memory_space<vmem>> -> memref<1x50x64xf32, #tpu.memory_space<vmem>>
        %dma_start3A_629 = tpu.memref_squeeze %dma_start3A_628 : memref<1x50x64xf32, #tpu.memory_space<vmem>> -> memref<50x64xf32, #tpu.memory_space<vmem>>
        %dma_start3A_630 = arith.constant 0 : i32
        %dma_start3A_631 = tpu.memref_slice %arg5[%add3A_624, %dma_start3A_630] : memref<512x50xi32, #tpu.memory_space<vmem>> -> memref<1x50xi32, #tpu.memory_space<vmem>>
        %dma_start3A_632 = tpu.memref_squeeze %dma_start3A_631 : memref<1x50xi32, #tpu.memory_space<vmem>> -> memref<50xi32, #tpu.memory_space<vmem>>
        %dma_start3A_633 = arith.constant 0 : i32
        %dma_start3A_634 = arith.constant 0 : i32
        %dma_start3A_635 = tpu.memref_slice %arg3[%dma_start3A_633, %dma_start3A_634] : memref<1000000x64xf32, #tpu.memory_space<hbm>> -> memref<1000000x64xf32, #tpu.memory_space<hbm>>
        tpu.enqueue_indirect_dma source(%dma_start3A_635 : memref<1000000x64xf32, #tpu.memory_space<hbm>>) target(%dma_start3A_629 : memref<50x64xf32, #tpu.memory_space<vmem>>) offsets(%dma_start3A_632 : memref<50xi32, #tpu.memory_space<vmem>>) semaphore(%arg11 : memref<!tpu.dma_semaphore, #tpu.memory_space<semaphore_mem>>)
        %mul3A_636 = arith.constant 8 : i32
        %mul3A_637 = arith.muli %sub3A_531, %mul3A_636 : i32
        %add3A_638 = arith.constant 6 : i32
        %add3A_639 = arith.addi %mul3A_637, %add3A_638 : i32
        %dma_start3A_640 = arith.constant 6 : i32
        %dma_start3A_641 = arith.constant 0 : i32
        %dma_start3A_642 = arith.constant 0 : i32
        %dma_start3A_643 = tpu.memref_slice %arg7[%dma_start3A_640, %dma_start3A_641, %dma_start3A_642] : memref<8x50x64xf32, #tpu.memory_space<vmem>> -> memref<1x50x64xf32, #tpu.memory_space<vmem>>
        %dma_start3A_644 = tpu.memref_squeeze %dma_start3A_643 : memref<1x50x64xf32, #tpu.memory_space<vmem>> -> memref<50x64xf32, #tpu.memory_space<vmem>>
        %dma_start3A_645 = arith.constant 0 : i32
        %dma_start3A_646 = tpu.memref_slice %arg5[%add3A_639, %dma_start3A_645] : memref<512x50xi32, #tpu.memory_space<vmem>> -> memref<1x50xi32, #tpu.memory_space<vmem>>
        %dma_start3A_647 = tpu.memref_squeeze %dma_start3A_646 : memref<1x50xi32, #tpu.memory_space<vmem>> -> memref<50xi32, #tpu.memory_space<vmem>>
        %dma_start3A_648 = arith.constant 0 : i32
        %dma_start3A_649 = arith.constant 0 : i32
        %dma_start3A_650 = tpu.memref_slice %arg3[%dma_start3A_648, %dma_start3A_649] : memref<1000000x64xf32, #tpu.memory_space<hbm>> -> memref<1000000x64xf32, #tpu.memory_space<hbm>>
        tpu.enqueue_indirect_dma source(%dma_start3A_650 : memref<1000000x64xf32, #tpu.memory_space<hbm>>) target(%dma_start3A_644 : memref<50x64xf32, #tpu.memory_space<vmem>>) offsets(%dma_start3A_647 : memref<50xi32, #tpu.memory_space<vmem>>) semaphore(%arg11 : memref<!tpu.dma_semaphore, #tpu.memory_space<semaphore_mem>>)
        %mul3A_651 = arith.constant 8 : i32
        %mul3A_652 = arith.muli %sub3A_531, %mul3A_651 : i32
        %add3A_653 = arith.constant 7 : i32
        %add3A_654 = arith.addi %mul3A_652, %add3A_653 : i32
        %dma_start3A_655 = arith.constant 7 : i32
        %dma_start3A_656 = arith.constant 0 : i32
        %dma_start3A_657 = arith.constant 0 : i32
        %dma_start3A_658 = tpu.memref_slice %arg7[%dma_start3A_655, %dma_start3A_656, %dma_start3A_657] : memref<8x50x64xf32, #tpu.memory_space<vmem>> -> memref<1x50x64xf32, #tpu.memory_space<vmem>>
        %dma_start3A_659 = tpu.memref_squeeze %dma_start3A_658 : memref<1x50x64xf32, #tpu.memory_space<vmem>> -> memref<50x64xf32, #tpu.memory_space<vmem>>
        %dma_start3A_660 = arith.constant 0 : i32
        %dma_start3A_661 = tpu.memref_slice %arg5[%add3A_654, %dma_start3A_660] : memref<512x50xi32, #tpu.memory_space<vmem>> -> memref<1x50xi32, #tpu.memory_space<vmem>>
        %dma_start3A_662 = tpu.memref_squeeze %dma_start3A_661 : memref<1x50xi32, #tpu.memory_space<vmem>> -> memref<50xi32, #tpu.memory_space<vmem>>
        %dma_start3A_663 = arith.constant 0 : i32
        %dma_start3A_664 = arith.constant 0 : i32
        %dma_start3A_665 = tpu.memref_slice %arg3[%dma_start3A_663, %dma_start3A_664] : memref<1000000x64xf32, #tpu.memory_space<hbm>> -> memref<1000000x64xf32, #tpu.memory_space<hbm>>
        tpu.enqueue_indirect_dma source(%dma_start3A_665 : memref<1000000x64xf32, #tpu.memory_space<hbm>>) target(%dma_start3A_659 : memref<50x64xf32, #tpu.memory_space<vmem>>) offsets(%dma_start3A_662 : memref<50xi32, #tpu.memory_space<vmem>>) semaphore(%arg11 : memref<!tpu.dma_semaphore, #tpu.memory_space<semaphore_mem>>)
      } else {
      }
    }
    %scan3A_389 = arith.constant 16 : i32
    %dma_wait3A = arith.constant 0 : i32
    %dma_wait3A_390 = arith.constant 0 : i32
    %dma_wait3A_391 = tpu.memref_slice %arg4[%mul3A_2, %dma_wait3A, %dma_wait3A_390] : memref<16384x50x64xf32, #tpu.memory_space<hbm>> -> memref<8x50x64xf32, #tpu.memory_space<hbm>>
    %dma_wait3A_392 = arith.constant 0 : i32
    %dma_wait3A_393 = arith.constant 0 : i32
    %dma_wait3A_394 = tpu.memref_slice %arg4[%mul3A_2, %dma_wait3A_392, %dma_wait3A_393] : memref<16384x50x64xf32, #tpu.memory_space<hbm>> -> memref<8x50x64xf32, #tpu.memory_space<hbm>>
    tpu.wait_dma2 semaphore(%arg14 : memref<!tpu.dma_semaphore, #tpu.memory_space<semaphore_mem>>) src(%arg6 : memref<8x50x64xf32, #tpu.memory_space<vmem>>) dst(%dma_wait3A_394 : memref<8x50x64xf32, #tpu.memory_space<hbm>>)
    %dma_wait3A_395 = arith.constant 0 : i32
    %dma_wait3A_396 = arith.constant 0 : i32
    %dma_wait3A_397 = tpu.memref_slice %arg4[%mul3A_2, %dma_wait3A_395, %dma_wait3A_396] : memref<16384x50x64xf32, #tpu.memory_space<hbm>> -> memref<8x50x64xf32, #tpu.memory_space<hbm>>
    %dma_wait3A_398 = arith.constant 0 : i32
    %dma_wait3A_399 = arith.constant 0 : i32
    %dma_wait3A_400 = tpu.memref_slice %arg4[%mul3A_2, %dma_wait3A_398, %dma_wait3A_399] : memref<16384x50x64xf32, #tpu.memory_space<hbm>> -> memref<8x50x64xf32, #tpu.memory_space<hbm>>
    tpu.wait_dma2 semaphore(%arg15 : memref<!tpu.dma_semaphore, #tpu.memory_space<semaphore_mem>>) src(%arg7 : memref<8x50x64xf32, #tpu.memory_space<vmem>>) dst(%dma_wait3A_400 : memref<8x50x64xf32, #tpu.memory_space<hbm>>)
    %dma_wait3A_401 = arith.constant 0 : i32
    %dma_wait3A_402 = arith.constant 0 : i32
    %dma_wait3A_403 = tpu.memref_slice %arg4[%mul3A_2, %dma_wait3A_401, %dma_wait3A_402] : memref<16384x50x64xf32, #tpu.memory_space<hbm>> -> memref<8x50x64xf32, #tpu.memory_space<hbm>>
    %dma_wait3A_404 = arith.constant 0 : i32
    %dma_wait3A_405 = arith.constant 0 : i32
    %dma_wait3A_406 = tpu.memref_slice %arg4[%mul3A_2, %dma_wait3A_404, %dma_wait3A_405] : memref<16384x50x64xf32, #tpu.memory_space<hbm>> -> memref<8x50x64xf32, #tpu.memory_space<hbm>>
    tpu.wait_dma2 semaphore(%arg16 : memref<!tpu.dma_semaphore, #tpu.memory_space<semaphore_mem>>) src(%arg8 : memref<8x50x64xf32, #tpu.memory_space<vmem>>) dst(%dma_wait3A_406 : memref<8x50x64xf32, #tpu.memory_space<hbm>>)
    %dma_wait3A_407 = arith.constant 0 : i32
    %dma_wait3A_408 = arith.constant 0 : i32
    %dma_wait3A_409 = tpu.memref_slice %arg4[%mul3A_2, %dma_wait3A_407, %dma_wait3A_408] : memref<16384x50x64xf32, #tpu.memory_space<hbm>> -> memref<8x50x64xf32, #tpu.memory_space<hbm>>
    %dma_wait3A_410 = arith.constant 0 : i32
    %dma_wait3A_411 = arith.constant 0 : i32
    %dma_wait3A_412 = tpu.memref_slice %arg4[%mul3A_2, %dma_wait3A_410, %dma_wait3A_411] : memref<16384x50x64xf32, #tpu.memory_space<hbm>> -> memref<8x50x64xf32, #tpu.memory_space<hbm>>
    tpu.wait_dma2 semaphore(%arg17 : memref<!tpu.dma_semaphore, #tpu.memory_space<semaphore_mem>>) src(%arg9 : memref<8x50x64xf32, #tpu.memory_space<vmem>>) dst(%dma_wait3A_412 : memref<8x50x64xf32, #tpu.memory_space<hbm>>)
    return
  }
}

</mosaic_0001>

<sc_bundles>
// kernel: kernel.3.cloned.1.call-start
scs
__scs_entry_jumppad:
0x0: {  	(pc) =	sbr.rel $0x88, $3  }
0x1: {  	(tag) =	ssettag $0x0;
	lr =	simm.s32 $0x1  }
0x2: {  	[smem:$0x3F9F] =	sst lr;
	_ =	strace $0xD0000000  }
0x3: {  	_ = 	snop  }
0x4: {  	_ = 	snop  }
0x5: {  	_ = 	snop  }
0x6: {  	_ = 	snop  }
0x7: {  	_ = 	snop  }
__scs_overlays_trampoline_lowered:
0x8: {  	[smem:$0x3FAE] =	sst s0  }
0x9: {  	[smem:$0x3FAF] =	sst s1  }
0xa: {  	[smem:$0x3FB0] =	sst s2  }
0xb: {  	[smem:$0x3FB1] =	sst s3  }
0xc: {  	[smem:$0x3FB2] =	sst s4  }
0xd: {  	[smem:$0x3FB3] =	sst s5  }
0xe: {  	[smem:$0x3FB4] =	sst s6  }
0xf: {  	[smem:$0x3FB5] =	sst s7  }
0x10: {  	[smem:$0x3FB6] =	sst s8  }
0x11: {  	[smem:$0x3FB7] =	sst s9;
	s0 =	simm.s32 @!p0 $0x0  }
0x12: {  	s1 =	sld [smem:$0x3F9D];
	s0 =	simm.s32 @p0 $0x1  }
0x13: {  	[smem:$0x3FB8] =	sst s0;
	s0 =	simm.s32 @!p1 $0x0  }
0x14: {  	s2 =	sld [smem:$0x3F9C];
	s0 =	simm.s32 @p1 $0x1  }
0x15: {  	[smem:$0x3FB9] =	sst s0;
	s0 =	simm.s32 @!p2 $0x0  }
0x16: {  	s3 =	sld [smem:$0x3FDB];
	s0 =	simm.s32 @p2 $0x1  }
0x17: {  	s4 =	simm.s32 $0x1BF5;
	[smem:$0x3FBB] =	sst s0  }
0x18: {  	s0 =	sld [smem:$0x3F9E];
	_ =	swait.ge [sflag:s4], $0x0  }
0x19: {  	s7 =	sld [smem:$0x3F9F]  }
0x1a: {  	s8 =	sadd.s32 $0xFFFFE003, lr  }
0x1b: {  	s9 =	sadd.s32 $0xFFFFFEF7, lr;
	s5 =	simm.s32 $0xFFFFFFFF;
	p2 =	slt.u32 s8, $0xFFFFF086  }
0x1c: {  	p1 =	slt.u32 s9, $0xF7A;
	s5 =	simm.s32 @!p2 $0x0  }
0x1d: {  	s5 =	simm.s32 @p1 $0x1;
	p0 =	seq.s32 s7, s2  }
0x1e: {  	s7 =	smul.u32 @!p0 $0xF7A, s2;
	p2 =	seq.s32 @!p0 s5, $0x0  }
0x1f: {  	s9 =	smul.u32 $0xF7A, s1;
	s8 =	simm.s32 @!p0 $0x1BF5;
	p2 =	por !p2, p0  }
0x20: {  	[sflag:s8] =	ssyncset.s32 @!p0 $0xFFFFF086;
	s6 =	sadd.s32 @!p0 s3, s7;
	s7 =	simm.s32 @!p0 $0x108  }
0x21: {  	s3 =	sadd.s32 s3, s9;
	s6 =	sadd.s32 @!p0 $0x88, s6;
	s7 =	simm.s32 @p2 $0x1082  }
0x22: {  	[simem:s7], [sflag:s8] =	dma.local @!p0 [hbm:s6], $0xF7A  }
0x23: {  	s9 =	sor.u32 $0xD0000000, s2;
	s6 =	simm.s32 $0x108;
	_ =	swait.ge @!p0 [sflag:s8], $0x0  }
0x24: {  	s3 =	sadd.s32 $0x88, s3;
	s6 =	simm.s32 @!p1 $0x1082;
	[sflag:s4] =	ssyncset.s32 $0xFFFFF086  }
0x25: {  	[simem:s6], [sflag:s4] =	dma.local [hbm:s3], $0xF7A  }
0x26: {  	[smem:$0x3F9F] =	sst s1;
	(tag) =	ssettag s2;
	_ =	strace s9  }
0x27: {  	s1 =	sld [smem:$0x3FAF]  }
0x28: {  	s2 =	sld [smem:$0x3FB0]  }
0x29: {  	s4 =	sld [smem:$0x3FB2]  }
0x2a: {  	p0 =	seq.s32 s5, $0x0;
	s5 =	sld [smem:$0x3FB3]  }
0x2b: {  	s6 =	sld [smem:$0x3FB4]  }
0x2c: {  	s7 =	sld [smem:$0x3FB5]  }
0x2d: {  	s3 =	simm.s32 $0x108;
	s8 =	sld [smem:$0x3FB6]  }
0x2e: {  	s3 =	simm.s32 @!p0 $0x1082;
	s9 =	sld [smem:$0x3FB7]  }
0x2f: {  	lr =	sadd.s32 s0, s3;
	s0 =	sld [smem:$0x3FAE]  }
0x30: {  	s3 =	sld [smem:$0x3FB1]  }
0x31: {  	[smem:$0x3FBA] =	sst s10  }
0x32: {  	s10 =	sld [smem:$0x3FB8];
	_ =	sdelay $0x3  }
0x33: {  	p0 =	seq.s32 s10, $0x1;
	s10 =	sld [smem:$0x3FBA];
	_ =	sdelay $0x3  }
0x34: {  	[smem:$0x3FBA] =	sst s10  }
0x35: {  	s10 =	sld [smem:$0x3FB9];
	_ =	sdelay $0x3  }
0x36: {  	p1 =	seq.s32 s10, $0x1;
	s10 =	sld [smem:$0x3FBA];
	_ =	sdelay $0x3  }
0x37: {  	[smem:$0x3FBA] =	sst s10  }
0x38: {  	s10 =	sld [smem:$0x3FBB]  }
0x39: {  	_ = 	snop;
	(pc) =	sbr.ind lr, $3  }
0x3a: {  	_ = 	snop  }
0x3b: {  	_ = 	snop  }
0x3c: {  	p2 =	seq.s32 s10, $0x1;
	s10 =	sld [smem:$0x3FBA]  }
0x3d: {  	_ =	shalt  }
0x3e: {  	_ =	shalt  }
0x3f: {  	_ =	shalt  }
0x40: {  	_ =	shalt  }
0x41: {  	_ =	shalt  }
0x42: {  	_ =	shalt  }
0x43: {  	_ =	shalt  }
0x44: {  	_ =	shalt  }
0x45: {  	_ =	shalt  }
0x46: {  	_ =	shalt  }
0x47: {  	_ =	shalt  }
0x48: {  	_ =	shalt  }
0x49: {  	_ =	shalt  }
0x4a: {  	_ =	shalt  }
0x4b: {  	_ =	shalt  }
0x4c: {  	_ =	shalt  }
0x4d: {  	_ =	shalt  }
0x4e: {  	_ =	shalt  }
0x4f: {  	_ =	shalt  }
0x50: {  	_ =	shalt  }
0x51: {  	_ =	shalt  }
0x52: {  	_ =	shalt  }
0x53: {  	_ =	shalt  }
0x54: {  	_ =	shalt  }
0x55: {  	_ =	shalt  }
0x56: {  	_ =	shalt  }
0x57: {  	_ =	shalt  }
0x58: {  	_ =	shalt  }
0x59: {  	_ =	shalt  }
0x5a: {  	_ =	shalt  }
0x5b: {  	_ =	shalt  }
0x5c: {  	_ =	shalt  }
0x5d: {  	_ =	shalt  }
0x5e: {  	_ =	shalt  }
0x5f: {  	_ =	shalt  }
0x60: {  	_ =	shalt  }
0x61: {  	_ =	shalt  }
0x62: {  	_ =	shalt  }
0x63: {  	_ =	shalt  }
0x64: {  	_ =	shalt  }
0x65: {  	_ =	shalt  }
0x66: {  	_ =	shalt  }
0x67: {  	_ =	shalt  }
0x68: {  	_ =	shalt  }
0x69: {  	_ =	shalt  }
0x6a: {  	_ =	shalt  }
0x6b: {  	_ =	shalt  }
0x6c: {  	_ =	shalt  }
0x6d: {  	_ =	shalt  }
0x6e: {  	_ =	shalt  }
0x6f: {  	_ =	shalt  }
0x70: {  	_ =	shalt  }
0x71: {  	_ =	shalt  }
0x72: {  	_ =	shalt  }
0x73: {  	_ =	shalt  }
0x74: {  	_ =	shalt  }
0x75: {  	_ =	shalt  }
0x76: {  	_ =	shalt  }
0x77: {  	_ =	shalt  }
0x78: {  	_ =	shalt  }
0x79: {  	_ =	shalt  }
0x7a: {  	_ =	shalt  }
0x7b: {  	_ =	shalt  }
0x7c: {  	_ =	shalt  }
0x7d: {  	_ =	shalt  }
0x7e: {  	_ =	shalt  }
0x7f: {  	_ =	shalt  }
0x80: {  	_ =	shalt  }
0x81: {  	_ =	shalt  }
0x82: {  	_ =	shalt  }
0x83: {  	_ =	shalt  }
0x84: {  	_ =	shalt  }
0x85: {  	_ =	shalt  }
0x86: {  	_ =	shalt  }
0x87: {  	_ =	shalt  }
.Lfunc_end0:
.L_simem_size_0:
called_computation.1_lowered:
.L_overlay_start_0:
0x88: {  	s2 =	sld [smem:$0x3FD9]  }
0x89: {  	s3 =	sld [smem:$0x3FFE];
	_ =	sdelay $0x1  }
0x8a: {  	s1 =	srdreg.scid  }
0x8b: {  	s0 =	sand.u32 $0x1, s1  }
0x8c: {  	s17 =	sshll.u32 s0, $0xA;
	s2 =	sadd.s32 s3, s2  }
0x8d: {  	s2 =	sadd.s32 s2, s17  }
0x8e: {  	[smem:$0x3FC6] =	sst s2  }
0x8f: {  	_ = 	snop  }
0x90: {  	s2 =	sld [smem:$0x3FD0];
	(tm) =	ssettm $0x1  }
0x91: {  	s18 =	sld [smem:$0x3FFB];
	_ =	sdelay $0x3  }
0x92: {  	_ =	strace s18  }
0x93: {  	s3 =	sld [smem:$0x3FFC];
	_ =	sdelay $0x3  }
0x94: {  	_ =	strace s3  }
0x95: {  	s3 =	sld [smem:$0x3FFD];
	_ =	sdelay $0x3  }
0x96: {  	_ =	strace s3  }
0x97: {  	_ =	strace $0x8FFFFFFF  }
0x98: {  	s19 =	sld [smem:$0x3FDB];
	_ =	sdelay $0x1  }
0x99: {  	s4 =	simm.s32 $_scs_section_size  }
0x9a: {  	s5 =	simm.s32 $_size__tile_overlayer_lowered;
	s6 =	simm.s32 $_tile_overlayer_lowered  }
0x9b: {  	s22 =	simm.s32 $0x1BFF;
	s21 =	sshll.u32 s6, $0x1;
	s3 =	sadd.s32 s4, s19  }
0x9c: {  	s7 =	simm.s32 $0x0;
	s20 =	sshll.u32 s5, $0x1;
	s5 =	sadd.s32 s21, s3  }
0x9d: {  	[timem:s7], [sflag:s22] =	dma.local [hbm:s5], s20  }
0x9e: {  	_ =	swait.ge [sflag:s22], s20  }
0x9f: {  	s4 =	ssub.s32 $0x0, s20;
	[sflag:s22] =	ssyncset.done $0x0  }
0xa0: {  	[sflag:s22] =	ssyncadd.s32 s4;
	_ =	sdelay $0x1  }
0xa1: {  	s23 =	simm.s32 $0x1B8B  }
0xa2: {  	_ =	swait.ge [sflag:s23], $0x1  }
0xa3: {  	[sflag:s23] =	ssyncset.done $0x0  }
0xa4: {  	s25 =	simm.s32 $0x1B8E;
	s24 =	sld [smem:$0x3FFE];
	[sflag:s23] =	ssyncadd.s32 $0xFFFFFFFF  }
0xa5: {  	s26 =	simm.s32 $execute0_lowered;
	[smem:$0x3FD2] =	sst s25  }
0xa6: {  	s5 =	sshll.u32 s26, $0x1;
	_ =	strace $0x80000046;
	[dreg:$0x1] =	wrdreg $0xFFFFFFFF  }
0xa7: {  	s28 =	simm.s32 $_size_execute0_lowered;
	s3 =	sadd.s32 s3, s5;
	[dreg:$0x0] =	wrdreg $0x0  }
0xa8: {  	s5 =	sshll.u32 s28, $0x1;
	[dreg:$0x2] =	wrdreg s3  }
0xa9: {  	[dreg:$0x3] =	wrdreg s5  }
0xaa: {  	[dreg:$0x4] =	wrdreg $0xC0  }
0xab: {  	_ =	task [dreg:s7], $0x5FFFF  }
0xac: {  	[dreg:$0x1] =	wrdreg $0xFFFFFFFF  }
0xad: {  	[dreg:$0x0] =	wrdreg $0x60  }
0xae: {  	[dreg:$0x2] =	wrdreg s24  }
0xaf: {  	[dreg:$0x3] =	wrdreg s2  }
0xb0: {  	[dreg:$0x4] =	wrdreg $0x9  }
0xb1: {  	_ =	task.clear_ibuf [dreg:s7], $0x5FFFF;
	_ =	strace $0x90000046  }
0xb2: {  	s29 =	simm.s32 $0x9;
	_ =	strace $0x80000048  }
0xb3: {  	_ =	swait.ge [sflag:s29], $0x1  }
0xb4: {  	[sflag:s29] =	ssyncadd.s32 $0xFFFFFFFF  }
0xb5: {  	_ =	strace $0x90000048  }
0xb6: {  	_ =	sfence  }
0xb7: {  	s30 =	sld [smem:$0x0];
	_ =	sdelay $0x2  }
0xb8: {  	s31 =	sshll.u32 s1, $0xD;
	s1 =	sshrl.u32 s1, $0x2  }
0xb9: {  	s3 =	sand.u32 $0x4000, s31;
	s1 =	sadd.s32 s1, s30  }
0xba: {  	s0 =	sor.u32 s3, s0;
	s1 =	sshll.u32 s1, $0x11  }
0xbb: {  	s0 =	sor.u32 s1, s0  }
0xbc: {  	s0 =	sadd.s32 $0x8F2B, s0  }
0xbd: {  	[sflag:s0] =	ssyncadd.remote.s32 $0x1  }
0xbe: {  	_ =	sfence.sel $0xFFFF  }
0xbf: {  	[dreg:$0x0] =	wrdreg $0xFFFFFFFF;
	(pc) =	sbr.abs _section_cstart, $3  }
0xc0: {  	[dreg:$0x1] =	wrdreg $0xFFFFFFFF  }
0xc1: {  	_ =	task.clear_ibuf [dreg:s7], $0x2FFFF;
	_ =	strace $0x9FFFFFFF  }
0xc2: {  	(tm) =	ssettm $0x7FFFFFFF  }
0xc3: {  	_ =	shalt  }
tec
execute0_lowered:
.L_overlay_start_1:
0x0: {  	(tag) =	ssettag $0x1  }
0x1: {  	s0 =	srdreg.scid;
	s1 =	rddreg [dreg:$0x0]  }
0x2: {  	s8 =	stileid.u32;
	s6 =	rddreg [dreg:$0x1]  }
0x3: {  	s2 =	simm.s32 $0x0;
	s9 =	simm.s32 $0x7000;
	s28 =	simm.s32 $0xE080  }
0x4: {  	s30 =	simm.s32 $0xED00;
	s10 =	simm.s32 $0x10600;
	s12 =	simm.s32 $0x11280  }
0x5: {  	s14 =	simm.s32 $0x11F00;
	s16 =	simm.s32 $0x12B80;
	s18 =	simm.s32 $0x13800  }
0x6: {  	s20 =	simm.s32 $0x19C00;
	s22 =	simm.s32 $0x1;
	s29 =	simm.s32 $0x5  }
0x7: {  	s31 =	simm.s32 $0x6;
	s11 =	simm.s32 $0x8;
	s13 =	simm.s32 $0x0  }
0x8: {  	s0 =	sand.u32 $0x1, s0;
	s3 =	sshll.u32 s8, $0xA;
	[smem:$0x7FF] =	sst s2  }
0x9: {  	s8 =	smul.u32 $0x64000, s8;
	s4 =	sshll.u32 s0, $0x9;
	_ =	strace $0x80000047  }
0xa: {  	s23 =	ssub.s32 $0x2, s0;
	s0 =	smul.u32 $0x32000, s0;
	s3 =	sor.u32 s4, s3  }
0xb: {  	s7 =	sshrl.u32 s23, $0x1;
	s26 =	sadd.s32 s8, s6;
	s8 =	simm.s32 $0x32  }
0xc: {  	s3 =	smul.u32 $0x7, s3;
	s24 =	ssub.s32 s23, s7;
	s0 =	sadd.s32 s0, s26  }
.Ltmp0:
0xd: {  	s7 =	simm.s32 $0x9;
	s23 =	simm.s32 $0x2;
	(pc) =	sbr.rel .LBB2_1-.Ltmp0, $4  }
0xe: {  	s26 =	simm.s32 $0x4;
	[dreg:$0x5] =	wrdreg s0;
	s0 =	simm.s32 $0x7  }
0xf: {  	s5 =	sadd.s32 s3, s1;
	s3 =	sadd.s32 $0xF42E00, s1;
	s1 =	smax.u32 s24, $0x1  }
0x10: {  	s24 =	simm.s32 $0x3;
	s25 =	sadd.s32 $0xA00, s5;
	[dreg:$0x4] =	wrdreg s1  }
0x11: {  	s1 =	simm.s32 $0xF980;
	[dreg:$0x3] =	wrdreg s25;
	s25 =	simm.s32 $0xD400  }
.LBB2_4:
0x12: {  	_ =	swait.ge [sflag:s29], $0x6400  }
0x13: {  	[sflag:s29] =	ssyncset.done $0x0  }
0x14: {  	[sflag:s29] =	ssyncadd.s32 $0xFFFF9C00  }
0x15: {  	_ =	swait.ge [sflag:s31], $0x6400  }
0x16: {  	[sflag:s31] =	ssyncset.done $0x0  }
0x17: {  	[sflag:s31] =	ssyncadd.s32 $0xFFFF9C00  }
0x18: {  	_ =	swait.ge [sflag:s0], $0x6400  }
0x19: {  	[sflag:s0] =	ssyncset.done $0x0  }
0x1a: {  	[sflag:s0] =	ssyncadd.s32 $0xFFFF9C00  }
0x1b: {  	_ =	swait.ge [sflag:s11], $0x6400  }
0x1c: {  	s13 =	sadd.s32 $0x1, s13;
	s4 =	rddreg [dreg:$0x4]  }
0x1d: {  	p0 =	sne.s32 s13, s4  }
.Ltmp1:
0x1e: {  	_ = 	snop;
	(pc) =	sbr.rel @!p0 .LBB2_5-.Ltmp1, $3  }
0x1f: {  	_ =	sdelay $0x1  }
0x20: {  	[sflag:s11] =	ssyncset.done $0x0  }
0x21: {  	[sflag:s11] =	ssyncadd.s32 $0xFFFF9C00  }
.LBB2_1:
0x22: {  	s4 =	rddreg [dreg:$0x3]  }
0x23: {  	[tilespmem:s2], [sflag:$0x9] =	stream.linear.gather [hbm4b:s4+s2], $0x7000, $0x38;
	v63 =	vld [tilespmem:$0x0]  }
0x24: {  	_ =	swait.ge [sflag:s7], $0x7000  }
0x25: {  	[sflag:s7] =	ssyncset.done $0x0  }
0x26: {  	[sflag:s7] =	ssyncadd.s32 $0xFFFF9000  }
0x27: {  	[tilespmem:s9], [sflag:$0x1] =	stream.indirect.gather [hbm4b:s3+s8], $0x40, s2, s8, $0xb8;
	v63 =	vld [tilespmem:$0x0]  }
0x28: {  	s6 =	simm.s32 $0x38;
	s5 =	simm.s32 $0x7C80  }
0x29: {  	[tilespmem:s5], [sflag:$0x1] =	stream.indirect.gather [hbm4b:s3+s8], $0x40, s6, s8, $0xb8;
	v63 =	vld [tilespmem:$0x0]  }
0x2a: {  	s15 =	simm.s32 $0x70;
	s17 =	simm.s32 $0x8900  }
0x2b: {  	[tilespmem:s17], [sflag:$0x1] =	stream.indirect.gather [hbm4b:s3+s8], $0x40, s15, s8, $0xb8;
	v63 =	vld [tilespmem:$0x0]  }
0x2c: {  	s19 =	simm.s32 $0xA8;
	s21 =	simm.s32 $0x9580  }
0x2d: {  	[tilespmem:s21], [sflag:$0x1] =	stream.indirect.gather [hbm4b:s3+s8], $0x40, s19, s8, $0xb8;
	v63 =	vld [tilespmem:$0x0]  }
0x2e: {  	s5 =	simm.s32 $0xE0;
	s6 =	simm.s32 $0xA200  }
0x2f: {  	[tilespmem:s6], [sflag:$0x1] =	stream.indirect.gather [hbm4b:s3+s8], $0x40, s5, s8, $0xb8;
	v63 =	vld [tilespmem:$0x0]  }
0x30: {  	s15 =	simm.s32 $0x118;
	s17 =	simm.s32 $0xAE80  }
0x31: {  	[tilespmem:s17], [sflag:$0x1] =	stream.indirect.gather [hbm4b:s3+s8], $0x40, s15, s8, $0xb8;
	v63 =	vld [tilespmem:$0x0]  }
0x32: {  	s19 =	simm.s32 $0x150;
	s21 =	simm.s32 $0xBB00  }
0x33: {  	[tilespmem:s21], [sflag:$0x1] =	stream.indirect.gather [hbm4b:s3+s8], $0x40, s19, s8, $0xb8;
	v63 =	vld [tilespmem:$0x0]  }
0x34: {  	s6 =	simm.s32 $0x188;
	s15 =	simm.s32 $0xC780  }
0x35: {  	[tilespmem:s15], [sflag:$0x1] =	stream.indirect.gather [hbm4b:s3+s8], $0x40, s6, s8, $0xb8;
	v63 =	vld [tilespmem:$0x0]  }
0x36: {  	s17 =	simm.s32 $0x1C0  }
0x37: {  	[tilespmem:s25], [sflag:$0x2] =	stream.indirect.gather [hbm4b:s3+s8], $0x40, s17, s8, $0xb8;
	v63 =	vld [tilespmem:$0x0]  }
0x38: {  	s19 =	simm.s32 $0x1F8  }
0x39: {  	[tilespmem:s28], [sflag:$0x2] =	stream.indirect.gather [hbm4b:s3+s8], $0x40, s19, s8, $0xb8;
	v63 =	vld [tilespmem:$0x0]  }
0x3a: {  	s21 =	simm.s32 $0x230  }
0x3b: {  	[tilespmem:s30], [sflag:$0x2] =	stream.indirect.gather [hbm4b:s3+s8], $0x40, s21, s8, $0xb8;
	v63 =	vld [tilespmem:$0x0]  }
0x3c: {  	s5 =	simm.s32 $0x268  }
0x3d: {  	[tilespmem:s1], [sflag:$0x2] =	stream.indirect.gather [hbm4b:s3+s8], $0x40, s5, s8, $0xb8;
	v63 =	vld [tilespmem:$0x0]  }
0x3e: {  	s6 =	simm.s32 $0x2A0  }
0x3f: {  	[tilespmem:s10], [sflag:$0x2] =	stream.indirect.gather [hbm4b:s3+s8], $0x40, s6, s8, $0xb8;
	v63 =	vld [tilespmem:$0x0]  }
0x40: {  	s15 =	simm.s32 $0x2D8  }
0x41: {  	[tilespmem:s12], [sflag:$0x2] =	stream.indirect.gather [hbm4b:s3+s8], $0x40, s15, s8, $0xb8;
	v63 =	vld [tilespmem:$0x0]  }
0x42: {  	s17 =	simm.s32 $0x310  }
0x43: {  	[tilespmem:s14], [sflag:$0x2] =	stream.indirect.gather [hbm4b:s3+s8], $0x40, s17, s8, $0xb8;
	v63 =	vld [tilespmem:$0x0]  }
0x44: {  	s19 =	simm.s32 $0x348  }
0x45: {  	[tilespmem:s16], [sflag:$0x2] =	stream.indirect.gather [hbm4b:s3+s8], $0x40, s19, s8, $0xb8;
	v63 =	vld [tilespmem:$0x0]  }
0x46: {  	s21 =	simm.s32 $0x380  }
0x47: {  	[tilespmem:s18], [sflag:$0x3] =	stream.indirect.gather [hbm4b:s3+s8], $0x40, s21, s8, $0xb8;
	v63 =	vld [tilespmem:$0x0]  }
0x48: {  	s5 =	simm.s32 $0x3B8;
	s6 =	simm.s32 $0x14480  }
0x49: {  	[tilespmem:s6], [sflag:$0x3] =	stream.indirect.gather [hbm4b:s3+s8], $0x40, s5, s8, $0xb8;
	v63 =	vld [tilespmem:$0x0]  }
0x4a: {  	s15 =	simm.s32 $0x3F0;
	s17 =	simm.s32 $0x15100  }
0x4b: {  	[tilespmem:s17], [sflag:$0x3] =	stream.indirect.gather [hbm4b:s3+s8], $0x40, s15, s8, $0xb8;
	v63 =	vld [tilespmem:$0x0]  }
0x4c: {  	s19 =	simm.s32 $0x428;
	s21 =	simm.s32 $0x15D80  }
0x4d: {  	[tilespmem:s21], [sflag:$0x3] =	stream.indirect.gather [hbm4b:s3+s8], $0x40, s19, s8, $0xb8;
	v63 =	vld [tilespmem:$0x0]  }
0x4e: {  	s5 =	simm.s32 $0x460;
	s6 =	simm.s32 $0x16A00  }
0x4f: {  	[tilespmem:s6], [sflag:$0x3] =	stream.indirect.gather [hbm4b:s3+s8], $0x40, s5, s8, $0xb8;
	v63 =	vld [tilespmem:$0x0]  }
0x50: {  	s15 =	simm.s32 $0x498;
	s17 =	simm.s32 $0x17680  }
0x51: {  	[tilespmem:s17], [sflag:$0x3] =	stream.indirect.gather [hbm4b:s3+s8], $0x40, s15, s8, $0xb8;
	v63 =	vld [tilespmem:$0x0]  }
0x52: {  	s19 =	simm.s32 $0x4D0;
	s21 =	simm.s32 $0x18300  }
0x53: {  	[tilespmem:s21], [sflag:$0x3] =	stream.indirect.gather [hbm4b:s3+s8], $0x40, s19, s8, $0xb8;
	v63 =	vld [tilespmem:$0x0]  }
0x54: {  	s6 =	simm.s32 $0x508;
	s15 =	simm.s32 $0x18F80  }
0x55: {  	[tilespmem:s15], [sflag:$0x3] =	stream.indirect.gather [hbm4b:s3+s8], $0x40, s6, s8, $0xb8;
	v63 =	vld [tilespmem:$0x0]  }
0x56: {  	s17 =	simm.s32 $0x540  }
0x57: {  	[tilespmem:s20], [sflag:$0x4] =	stream.indirect.gather [hbm4b:s3+s8], $0x40, s17, s8, $0xb8;
	v63 =	vld [tilespmem:$0x0]  }
0x58: {  	s19 =	simm.s32 $0x578;
	s21 =	simm.s32 $0x1A880  }
0x59: {  	[tilespmem:s21], [sflag:$0x4] =	stream.indirect.gather [hbm4b:s3+s8], $0x40, s19, s8, $0xb8;
	v63 =	vld [tilespmem:$0x0]  }
0x5a: {  	s5 =	simm.s32 $0x5B0;
	s6 =	simm.s32 $0x1B500  }
0x5b: {  	[tilespmem:s6], [sflag:$0x4] =	stream.indirect.gather [hbm4b:s3+s8], $0x40, s5, s8, $0xb8;
	v63 =	vld [tilespmem:$0x0]  }
0x5c: {  	s15 =	simm.s32 $0x5E8;
	s17 =	simm.s32 $0x1C180  }
0x5d: {  	[tilespmem:s17], [sflag:$0x4] =	stream.indirect.gather [hbm4b:s3+s8], $0x40, s15, s8, $0xb8;
	v63 =	vld [tilespmem:$0x0]  }
0x5e: {  	s19 =	simm.s32 $0x620;
	s21 =	simm.s32 $0x1CE00  }
0x5f: {  	[tilespmem:s21], [sflag:$0x4] =	stream.indirect.gather [hbm4b:s3+s8], $0x40, s19, s8, $0xb8;
	v63 =	vld [tilespmem:$0x0]  }
0x60: {  	s5 =	simm.s32 $0x658;
	s6 =	simm.s32 $0x1DA80  }
0x61: {  	[tilespmem:s6], [sflag:$0x4] =	stream.indirect.gather [hbm4b:s3+s8], $0x40, s5, s8, $0xb8;
	v63 =	vld [tilespmem:$0x0]  }
0x62: {  	s15 =	simm.s32 $0x690;
	s17 =	simm.s32 $0x1E700  }
0x63: {  	[tilespmem:s17], [sflag:$0x4] =	stream.indirect.gather [hbm4b:s3+s8], $0x40, s15, s8, $0xb8;
	v63 =	vld [tilespmem:$0x0]  }
0x64: {  	s19 =	simm.s32 $0x6C8;
	s21 =	simm.s32 $0x1F380  }
0x65: {  	[tilespmem:s21], [sflag:$0x4] =	stream.indirect.gather [hbm4b:s3+s8], $0x40, s19, s8, $0xb8;
	v63 =	vld [tilespmem:$0x0]  }
0x66: {  	s6 =	rddreg [dreg:$0x5];
	s15 =	simm.s32 $0xFFFFFFFC;
	s19 =	simm.s32 $0x0  }
.LBB2_2:
0x67: {  	_ =	swait.ge [sflag:s22], $0x6400  }
0x68: {  	p0 =	sgt.u32 s15, $0x3B;
	[sflag:s22] =	ssyncset.done $0x0  }
0x69: {  	s21 =	simm.s32 @!p0 $0x7;
	[sflag:s22] =	ssyncadd.s32 $0xFFFF9C00  }
0x6a: {  	[hbm4b:s6+s2] =	stream.linear.scatter [tilespmem:s9], [sflag:$0x5], $0x6400, $0x38;
	v63 =	vld [tilespmem:$0x0]  }
0x6b: {  	_ =	swait.ge @!p0 [sflag:s21], $0x6400  }
0x6c: {  	[sflag:s21] =	ssyncset.done @!p0 $0x0  }
0x6d: {  	[sflag:s21] =	ssyncadd.s32 @!p0 $0xFFFF9C00;
	s21 =	sshra.s32 @!p0 s19, $0x2  }
0x6e: {  	s5 =	simm.s32 @!p0 $0x32;
	s17 =	simm.s32 @!p0 $0x13800;
	s4 =	sadd.s32 @!p0 $0x380, s21  }
0x6f: {  	[tilespmem:s17], [sflag:$0x3] =	stream.indirect.gather @!p0 [hbm4b:s3+s5], $0x40, s4, s5, $0xb8;
	v63 =	vld [tilespmem:$0x0]  }
0x70: {  	s4 =	sadd.s32 @!p0 $0x3B8, s21;
	s17 =	simm.s32 @!p0 $0x14480  }
0x71: {  	[tilespmem:s17], [sflag:$0x3] =	stream.indirect.gather @!p0 [hbm4b:s3+s5], $0x40, s4, s5, $0xb8;
	v63 =	vld [tilespmem:$0x0]  }
0x72: {  	s4 =	sadd.s32 @!p0 $0x3F0, s21;
	s17 =	simm.s32 @!p0 $0x15100  }
0x73: {  	[tilespmem:s17], [sflag:$0x3] =	stream.indirect.gather @!p0 [hbm4b:s3+s5], $0x40, s4, s5, $0xb8;
	v63 =	vld [tilespmem:$0x0]  }
0x74: {  	s4 =	sadd.s32 @!p0 $0x428, s21;
	s17 =	simm.s32 @!p0 $0x15D80  }
0x75: {  	[tilespmem:s17], [sflag:$0x3] =	stream.indirect.gather @!p0 [hbm4b:s3+s5], $0x40, s4, s5, $0xb8;
	v63 =	vld [tilespmem:$0x0]  }
0x76: {  	s4 =	sadd.s32 @!p0 $0x460, s21;
	s17 =	simm.s32 @!p0 $0x16A00  }
0x77: {  	[tilespmem:s17], [sflag:$0x3] =	stream.indirect.gather @!p0 [hbm4b:s3+s5], $0x40, s4, s5, $0xb8;
	v63 =	vld [tilespmem:$0x0]  }
0x78: {  	s4 =	sadd.s32 @!p0 $0x498, s21;
	s17 =	simm.s32 @!p0 $0x17680  }
0x79: {  	[tilespmem:s17], [sflag:$0x3] =	stream.indirect.gather @!p0 [hbm4b:s3+s5], $0x40, s4, s5, $0xb8;
	v63 =	vld [tilespmem:$0x0]  }
0x7a: {  	s4 =	sadd.s32 @!p0 $0x4D0, s21;
	s17 =	simm.s32 @!p0 $0x18300  }
0x7b: {  	[tilespmem:s17], [sflag:$0x3] =	stream.indirect.gather @!p0 [hbm4b:s3+s5], $0x40, s4, s5, $0xb8;
	v63 =	vld [tilespmem:$0x0]  }
0x7c: {  	s4 =	sadd.s32 @!p0 $0x508, s21;
	s17 =	simm.s32 @!p0 $0x18F80  }
0x7d: {  	[tilespmem:s17], [sflag:$0x3] =	stream.indirect.gather @!p0 [hbm4b:s3+s5], $0x40, s4, s5, $0xb8;
	v63 =	vld [tilespmem:$0x0]  }
0x7e: {  	_ =	swait.ge [sflag:s23], $0x6400  }
0x7f: {  	p0 =	seq.s32 s19, $0x0;
	[sflag:s23] =	ssyncset.done $0x0  }
0x80: {  	s5 =	sadd.s32 $0xC80, s6;
	s4 =	simm.s32 @!p0 $0x8;
	[sflag:s23] =	ssyncadd.s32 $0xFFFF9C00  }
0x81: {  	[hbm4b:s5+s2] =	stream.linear.scatter [tilespmem:s25], [sflag:$0x6], $0x6400, $0x38;
	v63 =	vld [tilespmem:$0x0]  }
0x82: {  	_ =	swait.ge @!p0 [sflag:s4], $0x6400  }
0x83: {  	[sflag:s4] =	ssyncset.done @!p0 $0x0  }
0x84: {  	[sflag:s4] =	ssyncadd.s32 @!p0 $0xFFFF9C00;
	s4 =	sshra.s32 @!p0 s19, $0x2  }
0x85: {  	s17 =	simm.s32 @!p0 $0x32;
	s21 =	simm.s32 @!p0 $0x19C00;
	s5 =	sadd.s32 @!p0 $0x540, s4  }
0x86: {  	[tilespmem:s21], [sflag:$0x4] =	stream.indirect.gather @!p0 [hbm4b:s3+s17], $0x40, s5, s17, $0xb8;
	v63 =	vld [tilespmem:$0x0]  }
0x87: {  	s5 =	sadd.s32 @!p0 $0x578, s4;
	s21 =	simm.s32 @!p0 $0x1A880  }
0x88: {  	[tilespmem:s21], [sflag:$0x4] =	stream.indirect.gather @!p0 [hbm4b:s3+s17], $0x40, s5, s17, $0xb8;
	v63 =	vld [tilespmem:$0x0]  }
0x89: {  	s5 =	sadd.s32 @!p0 $0x5B0, s4;
	s21 =	simm.s32 @!p0 $0x1B500  }
0x8a: {  	[tilespmem:s21], [sflag:$0x4] =	stream.indirect.gather @!p0 [hbm4b:s3+s17], $0x40, s5, s17, $0xb8;
	v63 =	vld [tilespmem:$0x0]  }
0x8b: {  	s5 =	sadd.s32 @!p0 $0x5E8, s4;
	s21 =	simm.s32 @!p0 $0x1C180  }
0x8c: {  	[tilespmem:s21], [sflag:$0x4] =	stream.indirect.gather @!p0 [hbm4b:s3+s17], $0x40, s5, s17, $0xb8;
	v63 =	vld [tilespmem:$0x0]  }
0x8d: {  	s5 =	sadd.s32 @!p0 $0x620, s4;
	s21 =	simm.s32 @!p0 $0x1CE00  }
0x8e: {  	[tilespmem:s21], [sflag:$0x4] =	stream.indirect.gather @!p0 [hbm4b:s3+s17], $0x40, s5, s17, $0xb8;
	v63 =	vld [tilespmem:$0x0]  }
0x8f: {  	s5 =	sadd.s32 @!p0 $0x658, s4;
	s21 =	simm.s32 @!p0 $0x1DA80  }
0x90: {  	[tilespmem:s21], [sflag:$0x4] =	stream.indirect.gather @!p0 [hbm4b:s3+s17], $0x40, s5, s17, $0xb8;
	v63 =	vld [tilespmem:$0x0]  }
0x91: {  	s5 =	sadd.s32 @!p0 $0x690, s4;
	s21 =	simm.s32 @!p0 $0x1E700  }
0x92: {  	[tilespmem:s21], [sflag:$0x4] =	stream.indirect.gather @!p0 [hbm4b:s3+s17], $0x40, s5, s17, $0xb8;
	v63 =	vld [tilespmem:$0x0]  }
0x93: {  	s4 =	sadd.s32 @!p0 $0x6C8, s4;
	s5 =	simm.s32 @!p0 $0x1F380  }
0x94: {  	[tilespmem:s5], [sflag:$0x4] =	stream.indirect.gather @!p0 [hbm4b:s3+s17], $0x40, s4, s17, $0xb8;
	v63 =	vld [tilespmem:$0x0]  }
0x95: {  	_ =	swait.ge [sflag:s24], $0x6400  }
0x96: {  	p0 =	seq.s32 s19, $0x1A400;
	[sflag:s24] =	ssyncset.done $0x0  }
0x97: {  	s17 =	sadd.s32 $0x1900, s6;
	s4 =	simm.s32 @!p0 $0x5;
	[sflag:s24] =	ssyncadd.s32 $0xFFFF9C00  }
0x98: {  	[hbm4b:s17+s2] =	stream.linear.scatter [tilespmem:s18], [sflag:$0x7], $0x6400, $0x38;
	v63 =	vld [tilespmem:$0x0]  }
0x99: {  	_ =	swait.ge @!p0 [sflag:s4], $0x6400  }
0x9a: {  	[sflag:s4] =	ssyncset.done @!p0 $0x0  }
0x9b: {  	[sflag:s4] =	ssyncadd.s32 @!p0 $0xFFFF9C00;
	s4 =	sshra.s32 @!p0 s19, $0x2  }
0x9c: {  	s21 =	simm.s32 @!p0 $0x7000;
	s17 =	simm.s32 @!p0 $0x32;
	s5 =	sadd.s32 @!p0 $0x700, s4  }
0x9d: {  	[tilespmem:s21], [sflag:$0x1] =	stream.indirect.gather @!p0 [hbm4b:s3+s17], $0x40, s5, s17, $0xb8;
	v63 =	vld [tilespmem:$0x0]  }
0x9e: {  	s5 =	sadd.s32 @!p0 $0x738, s4;
	s21 =	simm.s32 @!p0 $0x7C80  }
0x9f: {  	[tilespmem:s21], [sflag:$0x1] =	stream.indirect.gather @!p0 [hbm4b:s3+s17], $0x40, s5, s17, $0xb8;
	v63 =	vld [tilespmem:$0x0]  }
0xa0: {  	s5 =	sadd.s32 @!p0 $0x770, s4;
	s21 =	simm.s32 @!p0 $0x8900  }
0xa1: {  	[tilespmem:s21], [sflag:$0x1] =	stream.indirect.gather @!p0 [hbm4b:s3+s17], $0x40, s5, s17, $0xb8;
	v63 =	vld [tilespmem:$0x0]  }
0xa2: {  	s5 =	sadd.s32 @!p0 $0x7A8, s4;
	s21 =	simm.s32 @!p0 $0x9580  }
0xa3: {  	[tilespmem:s21], [sflag:$0x1] =	stream.indirect.gather @!p0 [hbm4b:s3+s17], $0x40, s5, s17, $0xb8;
	v63 =	vld [tilespmem:$0x0]  }
0xa4: {  	s5 =	sadd.s32 @!p0 $0x7E0, s4;
	s21 =	simm.s32 @!p0 $0xA200  }
0xa5: {  	[tilespmem:s21], [sflag:$0x1] =	stream.indirect.gather @!p0 [hbm4b:s3+s17], $0x40, s5, s17, $0xb8;
	v63 =	vld [tilespmem:$0x0]  }
0xa6: {  	s5 =	sadd.s32 @!p0 $0x818, s4;
	s21 =	simm.s32 @!p0 $0xAE80  }
0xa7: {  	[tilespmem:s21], [sflag:$0x1] =	stream.indirect.gather @!p0 [hbm4b:s3+s17], $0x40, s5, s17, $0xb8;
	v63 =	vld [tilespmem:$0x0]  }
0xa8: {  	s5 =	sadd.s32 @!p0 $0x850, s4;
	s21 =	simm.s32 @!p0 $0xBB00  }
0xa9: {  	[tilespmem:s21], [sflag:$0x1] =	stream.indirect.gather @!p0 [hbm4b:s3+s17], $0x40, s5, s17, $0xb8;
	v63 =	vld [tilespmem:$0x0]  }
0xaa: {  	s4 =	sadd.s32 @!p0 $0x888, s4;
	s5 =	simm.s32 @!p0 $0xC780  }
0xab: {  	[tilespmem:s5], [sflag:$0x1] =	stream.indirect.gather @!p0 [hbm4b:s3+s17], $0x40, s4, s17, $0xb8;
	v63 =	vld [tilespmem:$0x0]  }
.Ltmp2:
0xac: {  	_ = 	snop;
	(pc) =	sbr.rel @p0 .LBB2_4-.Ltmp2, $4  }
0xad: {  	_ =	swait.ge [sflag:s26], $0x6400  }
0xae: {  	[sflag:s26] =	ssyncset.done $0x0  }
0xaf: {  	s21 =	sadd.s32 $0x2580, s6;
	[sflag:s26] =	ssyncadd.s32 $0xFFFF9C00  }
0xb0: {  	[hbm4b:s21+s2] =	stream.linear.scatter [tilespmem:s20], [sflag:$0x8], $0x6400, $0x38;
	v63 =	vld [tilespmem:$0x0]  }
0xb1: {  	_ =	swait.ge [sflag:s31], $0x6400  }
0xb2: {  	s4 =	sshra.s32 s19, $0x2;
	[sflag:s31] =	ssyncset.done $0x0  }
0xb3: {  	s5 =	sadd.s32 $0x8C0, s4;
	[sflag:s31] =	ssyncadd.s32 $0xFFFF9C00  }
0xb4: {  	[tilespmem:s25], [sflag:$0x2] =	stream.indirect.gather [hbm4b:s3+s8], $0x40, s5, s8, $0xb8;
	v63 =	vld [tilespmem:$0x0]  }
0xb5: {  	s17 =	sadd.s32 $0x8F8, s4  }
0xb6: {  	[tilespmem:s28], [sflag:$0x2] =	stream.indirect.gather [hbm4b:s3+s8], $0x40, s17, s8, $0xb8;
	v63 =	vld [tilespmem:$0x0]  }
0xb7: {  	s21 =	sadd.s32 $0x930, s4  }
0xb8: {  	[tilespmem:s30], [sflag:$0x2] =	stream.indirect.gather [hbm4b:s3+s8], $0x40, s21, s8, $0xb8;
	v63 =	vld [tilespmem:$0x0]  }
0xb9: {  	s17 =	sadd.s32 $0x968, s4  }
0xba: {  	[tilespmem:s1], [sflag:$0x2] =	stream.indirect.gather [hbm4b:s3+s8], $0x40, s17, s8, $0xb8;
	v63 =	vld [tilespmem:$0x0]  }
0xbb: {  	s21 =	sadd.s32 $0x9A0, s4  }
0xbc: {  	[tilespmem:s10], [sflag:$0x2] =	stream.indirect.gather [hbm4b:s3+s8], $0x40, s21, s8, $0xb8;
	v63 =	vld [tilespmem:$0x0]  }
0xbd: {  	s17 =	sadd.s32 $0x9D8, s4  }
0xbe: {  	[tilespmem:s12], [sflag:$0x2] =	stream.indirect.gather [hbm4b:s3+s8], $0x40, s17, s8, $0xb8;
	v63 =	vld [tilespmem:$0x0]  }
.Ltmp3:
0xbf: {  	_ = 	snop;
	(pc) =	sbr.rel .LBB2_2-.Ltmp3, $4  }
0xc0: {  	s19 =	sadd.s32 $0x1C00, s19;
	s21 =	sadd.s32 $0xA10, s4  }
0xc1: {  	[tilespmem:s14], [sflag:$0x2] =	stream.indirect.gather [hbm4b:s3+s8], $0x40, s21, s8, $0xb8;
	v63 =	vld [tilespmem:$0x0]  }
0xc2: {  	s6 =	sadd.s32 $0x3200, s6;
	s15 =	sadd.s32 $0x4, s15;
	s4 =	sadd.s32 $0xA48, s4  }
0xc3: {  	[tilespmem:s16], [sflag:$0x2] =	stream.indirect.gather [hbm4b:s3+s8], $0x40, s4, s8, $0xb8;
	v63 =	vld [tilespmem:$0x0]  }
.LBB2_5:
0xc4: {  	_ =	sfence.sel $0x180000  }
0xc5: {  	[bflag:$0x0] =	sbarrier.arrive $0xFFFF  }
0xc6: {  	_ =	strace $0x90000047  }
0xc7: {  	s0 =	stileid.u32;
	[bflag:$0x2] =	sbarrier.arrive $0xFFFF  }
0xc8: {  	p0 =	sne.s32 s0, $0x0;
	s0 =	rddreg [dreg:$0x2]  }
0xc9: {  	s0 =	sadd.s32 @!p0 $0x100000, s0  }
0xca: {  	[sflag:s0] =	ssyncadd.tile.s32 @!p0 $0x1;
	_ =	shalt  }
.Lfunc_end2:
_tile_overlayer_lowered:
.L_overlay_start_2:
0xcb: {  	(tag) =	ssettag $0x2  }
0xcc: {  	s0 =	rddreg [dreg:$0x0];
	s2 =	stileid.u32  }
0xcd: {  	s1 =	rddreg [dreg:$0x1];
	p0 =	sne.s32 s2, $0x0  }
0xce: {  	s3 =	rddreg [dreg:$0x2];
	[bflag:$0x3] =	sbarrier.arrive $0xFFFF;
	s2 =	simm.s32 @!p0 $0x1C09  }
0xcf: {  	[timem:s3], [sflag:s2] =	dma.local @!p0 [hbm:s0], s1  }
0xd0: {  	s0 =	simm.s32 @!p0 $0x9  }
0xd1: {  	_ =	swait.ge @!p0 [sflag:s0], s1  }
0xd2: {  	s1 =	ssub.s32 @!p0 $0x0, s1;
	[sflag:s0] =	ssyncset.done @!p0 $0x0  }
0xd3: {  	[sflag:s0] =	ssyncadd.s32 @!p0 s1  }
0xd4: {  	[bflag:$0x3] =	sbarrier.arrive $0xFFFF  }
0xd5: {  	_ =	shalt  }

// kernel: sparse-core-data-format-call.cloned.1.call-start
scs
called_computation_lowered:
.L_overlay_start_0:
0x0: {  	s2 =	sld [smem:$0x3FD9]  }
0x1: {  	s3 =	sld [smem:$0x3FFE];
	_ =	sdelay $0x1  }
0x2: {  	s1 =	srdreg.scid  }
0x3: {  	s0 =	sand.u32 $0x1, s1  }
0x4: {  	s18 =	sshll.u32 s0, $0xA;
	s2 =	sadd.s32 s3, s2  }
0x5: {  	s2 =	sadd.s32 s2, s18  }
0x6: {  	[smem:$0x3FC6] =	sst s2  }
0x7: {  	_ = 	snop  }
0x8: {  	s2 =	sld [smem:$0x3FD0];
	(tm) =	ssettm $0x1  }
0x9: {  	s19 =	sld [smem:$0x3FFB];
	_ =	sdelay $0x3  }
0xa: {  	_ =	strace s19  }
0xb: {  	s3 =	sld [smem:$0x3FFC];
	_ =	sdelay $0x3  }
0xc: {  	_ =	strace s3  }
0xd: {  	s3 =	sld [smem:$0x3FFD];
	_ =	sdelay $0x3  }
0xe: {  	_ =	strace s3  }
0xf: {  	_ =	strace $0x8FFFFFFF  }
0x10: {  	s20 =	sld [smem:$0x3FDB];
	_ =	sdelay $0x1  }
0x11: {  	s4 =	simm.s32 $_scs_section_size  }
0x12: {  	s5 =	simm.s32 $_size__tile_overlayer_lowered;
	s6 =	simm.s32 $_tile_overlayer_lowered  }
0x13: {  	s23 =	simm.s32 $0x1BFF;
	s22 =	sshll.u32 s6, $0x1;
	s3 =	sadd.s32 s4, s20  }
0x14: {  	s7 =	simm.s32 $0x0;
	s21 =	sshll.u32 s5, $0x1;
	s5 =	sadd.s32 s22, s3  }
0x15: {  	[timem:s7], [sflag:s23] =	dma.local [hbm:s5], s21  }
0x16: {  	_ =	swait.ge [sflag:s23], s21  }
0x17: {  	s4 =	ssub.s32 $0x0, s21;
	[sflag:s23] =	ssyncset.done $0x0  }
0x18: {  	[sflag:s23] =	ssyncadd.s32 s4;
	_ =	sdelay $0x1  }
0x19: {  	s24 =	simm.s32 $0x1B8B  }
0x1a: {  	_ =	swait.ge [sflag:s24], $0x1  }
0x1b: {  	[sflag:s24] =	ssyncset.done $0x0  }
0x1c: {  	s26 =	simm.s32 $0x1B8E;
	s25 =	sld [smem:$0x3FFE];
	[sflag:s24] =	ssyncadd.s32 $0xFFFFFFFF  }
0x1d: {  	s27 =	simm.s32 $execute0_lowered;
	[smem:$0x3FD2] =	sst s26  }
0x1e: {  	s5 =	sshll.u32 s27, $0x1;
	_ =	strace $0x80000049;
	[dreg:$0x1] =	wrdreg $0xFFFFFFFF  }
0x1f: {  	s28 =	simm.s32 $_size_execute0_lowered;
	s3 =	sadd.s32 s3, s5;
	[dreg:$0x0] =	wrdreg $0x0  }
0x20: {  	s5 =	sshll.u32 s28, $0x1;
	[dreg:$0x2] =	wrdreg s3  }
0x21: {  	[dreg:$0x3] =	wrdreg s5  }
0x22: {  	[dreg:$0x4] =	wrdreg $0xC0  }
0x23: {  	_ =	task [dreg:s7], $0x5FFFF  }
0x24: {  	[dreg:$0x1] =	wrdreg $0xFFFFFFFF  }
0x25: {  	[dreg:$0x0] =	wrdreg $0x60  }
0x26: {  	[dreg:$0x2] =	wrdreg s25  }
0x27: {  	[dreg:$0x3] =	wrdreg s2  }
0x28: {  	[dreg:$0x4] =	wrdreg $0x9  }
0x29: {  	_ =	task.clear_ibuf [dreg:s7], $0x5FFFF;
	_ =	strace $0x90000049  }
0x2a: {  	s29 =	simm.s32 $0x9;
	_ =	strace $0x8000004B  }
0x2b: {  	_ =	swait.ge [sflag:s29], $0x1  }
0x2c: {  	[sflag:s29] =	ssyncadd.s32 $0xFFFFFFFF  }
0x2d: {  	_ =	strace $0x9000004B  }
0x2e: {  	_ =	sfence  }
0x2f: {  	s30 =	sld [smem:$0x0];
	_ =	sdelay $0x2  }
0x30: {  	s31 =	sshll.u32 s1, $0xD;
	s1 =	sshrl.u32 s1, $0x2  }
0x31: {  	s3 =	sand.u32 $0x4000, s31;
	s1 =	sadd.s32 s1, s30  }
0x32: {  	s0 =	sor.u32 s3, s0;
	s1 =	sshll.u32 s1, $0x11  }
0x33: {  	s0 =	sor.u32 s1, s0  }
0x34: {  	s0 =	sadd.s32 $0x8F2B, s0  }
0x35: {  	[sflag:s0] =	ssyncadd.remote.s32 $0x1  }
0x36: {  	_ =	sfence.sel $0xFFFF  }
0x37: {  	[dreg:$0x0] =	wrdreg $0xFFFFFFFF;
	(pc) =	sbr.abs _section_cstart, $3  }
0x38: {  	[dreg:$0x1] =	wrdreg $0xFFFFFFFF  }
0x39: {  	_ =	task.clear_ibuf [dreg:s7], $0x2FFFF;
	_ =	strace $0x9FFFFFFF  }
0x3a: {  	(tm) =	ssettm $0x7FFFFFFF  }
0x3b: {  	_ =	shalt  }
tec
execute0_lowered:
.L_overlay_start_1:
0x0: {  	(tag) =	ssettag $0x1  }
0x1: {  	s0 =	srdreg.scid  }
0x2: {  	s1 =	sshll.u32 s0, $0x4  }
0x3: {  	s0 =	stileid.u32;
	s1 =	sand.u32 $0x10, s1  }
0x4: {  	s1 =	sor.u32 s0, s1  }
0x5: {  	s6 =	rddreg [dreg:$0x0];
	s4 =	simm.s32 $0x1;
	s2 =	sshll.u32 s1, $0x7  }
0x6: {  	s7 =	simm.s32 $0x2;
	s12 =	simm.s32 $0x0;
	s1 =	ssub.s32 $0x4000, s2  }
0x7: {  	s8 =	simm.s32 $0x20000;
	s13 =	simm.s32 $0x0;
	s3 =	sand.u32 $0xF80, s1  }
0x8: {  	s9 =	simm.s32 $0x0;
	s5 =	sshrl.u32 s1, $0xC;
	p0 =	sne.s32 s3, $0x0  }
.Ltmp0:
0x9: {  	s1 =	rddreg [dreg:$0x2];
	s4 =	simm.s32 @!p0 $0x0;
	(pc) =	sbr.rel .LBB1_1-.Ltmp0, $4  }
0xa: {  	s11 =	simm.s32 $0x0;
	s3 =	rddreg [dreg:$0x1];
	s5 =	sadd.s32 s4, s5  }
0xb: {  	_ =	strace $0x8000004A;
	s4 =	simm.s32 $0x1;
	s5 =	smul.u32 $0x32, s5  }
0xc: {  	s6 =	sadd.s32 $0xA00, s6;
	s10 =	smov.u32 s2;
	[sflag:s4] =	ssyncpa.u1 $0x0  }
0xd: {  	p0 =	por $0x0, $0x0;
	[sflag:s7] =	ssyncpa.u1 $0x0;
	s7 =	sor.u32 $0x1, s5  }
.LBB1_4:
0xe: {  	s16 =	sshll.u32 s13, $0x3;
	s17 =	sand.u32 $0x78, s13  }
0xf: {  	s30 =	sand.u32 $0x1F800, s13;
	s12 =	sshll.u32 s12, $0x11;
	s16 =	sand.u32 $0x3C00, s16  }
0x10: {  	[tilespmem:s15+$0x810 ss:$0x81] =	vst.msk $0xffff, v2;
	s31 =	sand.u32 $0x7, s13;
	s16 =	sor.u32 s17, s16;
	s17 =	sadd.s32 s3, s30  }
0x11: {  	[tilespmem:s15+$0x1020 ss:$0x81] =	vst.msk $0xffff, v0;
	s13 =	sshll.u32 s31, $0x12;
	s12 =	sadd.s32 s12, s17;
	s16 =	sshrl.u32 s16, $0x3  }
0x12: {  	[tilespmem:s15+$0x0 ss:$0x81] =	vst.msk $0xffff, v1;
	s13 =	sor.u32 $0x400, s13;
	s12 =	sadd.s32 s16, s12  }
0x13: {  	[hbm4b:s12+s13] =	stream.strided.scatter [tilespmem:s14], [sflag:$0x2], $0x2000, s8, s13, $0x20;
	[tilespmem:$0x8080] =	vst v63  }
.LBB1_5:
0x14: {  	s14 =	sadd.s32 $0x1, s9  }
0x15: {  	s12 =	sadd.s32 $0x1000, s10;
	s16 =	smov.u32 s10;
	p2 =	sgt.s32 s14, $0x31  }
0x16: {  	s16 =	smov.u32 @p2 s12  }
0x17: {  	s14 =	simm.s32 @p2 $0x0;
	p2 =	sgt.s32 s16, $0x3FFF  }
0x18: {  	s16 =	smov.u32 @p2 s2;
	p2 =	sne.s32 s11, s7  }
.Ltmp1:
0x19: {  	p1 =	slt.u32 s11, $0x2;
	(pc) =	sbr.rel @!p2 .LBB1_6-.Ltmp1, $4  }
0x1a: {  	s15 =	simm.s32 @!p1 $0x2  }
0x1b: {  	s13 =	smov.u32 s10;
	p0 =	por !p0, !p0;
	_ =	swait.ge @!p1 [sflag:s15], $0x2000  }
0x1c: {  	s12 =	smov.u32 s9;
	[sflag:s15] =	ssyncset.done @!p1 $0x0;
	s9 =	smov.u32 s14  }
0x1d: {  	s11 =	sadd.s32 $0x1, s11;
	[sflag:s15] =	ssyncadd.s32 @!p1 $0xFFFFE000;
	s10 =	smov.u32 s16  }
.LBB1_1:
0x1e: {  	p1 =	sge.u32 s11, s5  }
0x1f: {  	s14 =	sand.u32 @!p1 $0x1FFFFFF, s9  }
0x20: {  	s15 =	smulhi.u32 @!p1 $0x4924925, s14;
	_ =	sdelay $0x1  }
0x21: {  	s15 =	smul.u32 @!p1 $0x38, s15  }
0x22: {  	s16 =	sxor.u32 @!p1 $0xFFFFFFFF, s11;
	s17 =	smul.u32 @!p1 $0x380, s10  }
0x23: {  	s31 =	sadd.s32 $0xFFFFFFFF, s11;
	s16 =	sshll.u32 @!p1 s16, $0xD;
	s14 =	ssub.s32 @!p1 s14, s15  }
0x24: {  	s15 =	sand.u32 @!p1 $0x2000, s16;
	s16 =	sadd.s32 @!p1 s6, s17;
	s14 =	sshll.u32 @!p1 s14, $0x4  }
0x25: {  	s17 =	simm.s32 @!p1 $0x1C00;
	s14 =	sadd.s32 @!p1 s14, s16;
	s16 =	simm.s32 @!p1 $0x40  }
0x26: {  	[tilespmem:s15], [sflag:$0x1] =	stream.strided.gather @!p1 [hbm4b:s14+s16], $0x2000, s17, s16, $0x38;
	[tilespmem:$0x8080] =	vst v63  }
0x27: {  	p1 =	sge.u32 s31, s5  }
.Ltmp2:
0x28: {  	_ = 	snop;
	(pc) =	sbr.rel @p1 .LBB1_5-.Ltmp2, $1  }
0x29: {  	_ =	sdelay $0x3  }
0x2a: {  	s14 =	simm.s32 $0x1  }
0x2b: {  	_ =	swait.ge [sflag:s4], $0x2000;
	s14 =	simm.s32 @!p0 $0x0  }
0x2c: {  	[sflag:s4] =	ssyncset.done $0x0;
	s15 =	sshll.u32 s14, $0xD  }
0x2d: {  	[sflag:s4] =	ssyncadd.s32 $0xFFFFE000;
	s18 =	sor.u32 $0x20, s15  }
0x2e: {  	s14 =	smul.u32 $0x8100, s14;
	v3 =	vld [tilespmem:s18+$0x10]  }
0x2f: {  	s30 =	sand.u32 $0x1, s11;
	v2 =	vld [tilespmem:s18+$0xFFFFFFF0]  }
0x30: {  	s15 =	smul.u32 $0x8100, s30;
	s14 =	sshrl.u32 s14, $0x2;
	v0 =	vld [tilespmem:s18+$0x0]  }
0x31: {  	v1 =	vld [tilespmem:s18+$0xFFFFFFE0];
	s16 =	sor.u32 $0x4000, s14  }
0x32: {  	s31 =	sshrl.u32 s15, $0x2;
	s15 =	sadd.s32 $0x0, s16  }
0x33: {  	s17 =	simm.s32 $0x4;
	s18 =	sadd.s32 $0x40, s18;
	s14 =	sor.u32 $0x4000, s31;
	[tilespmem:s15+$0x1830 ss:$0x81] =	vst.msk $0xffff, v3  }
.LBB1_3:
0x34: {  	v3 =	vld [tilespmem:s18+$0x10];
	p1 =	sne.s32 s17, $0x1FC;
	[tilespmem:s15+$0x810 ss:$0x81] =	vst.msk $0xffff, v2;
	s19 =	smov.u32 s17;
	s17 =	sadd.s32 $0x4, s17  }
.Ltmp3:
0x35: {  	v2 =	vld [tilespmem:s18+$0xFFFFFFF0];
	[tilespmem:s15+$0x1020 ss:$0x81] =	vst.msk $0xffff, v0;
	(pc) =	sbr.rel @p1 .LBB1_3-.Ltmp3, $4  }
0x36: {  	v0 =	vld [tilespmem:s18+$0x0];
	[tilespmem:s15+$0x0 ss:$0x81] =	vst.msk $0xffff, v1  }
0x37: {  	s15 =	sshra.s32 s19, $0x2;
	v1 =	vld [tilespmem:s18+$0xFFFFFFE0]  }
0x38: {  	s15 =	sadd.s32 s15, s16  }
0x39: {  	s18 =	sadd.s32 $0x40, s18;
	[tilespmem:s15+$0x1830 ss:$0x81] =	vst.msk $0xffff, v3  }
.Ltmp4:
0x3a: {  	_ = 	snop;
	(pc) =	sbr.rel .LBB1_4-.Ltmp4, $1  }
0x3b: {  	_ =	sdelay $0x3  }
.LBB1_6:
0x3c: {  	_ =	sfence.sel $0x180000  }
0x3d: {  	s2 =	simm.s32 $0x1;
	[bflag:$0x0] =	sbarrier.arrive $0xFFFF  }
0x3e: {  	s31 =	simm.s32 $0x2;
	[sflag:s2] =	ssyncpa.u1 $0x1  }
0x3f: {  	[sflag:s31] =	ssyncpa.u1 $0x1  }
0x40: {  	p0 =	sne.s32 s0, $0x0;
	_ =	strace $0x9000004A  }
0x41: {  	s0 =	sadd.s32 @!p0 $0x100000, s1;
	[bflag:$0x2] =	sbarrier.arrive $0xFFFF  }
0x42: {  	[sflag:s0] =	ssyncadd.tile.s32 @!p0 $0x1;
	_ =	shalt  }
.Lfunc_end1:
_tile_overlayer_lowered:
.L_overlay_start_2:
0x43: {  	(tag) =	ssettag $0x2  }
0x44: {  	s0 =	rddreg [dreg:$0x0];
	s2 =	stileid.u32  }
0x45: {  	s1 =	rddreg [dreg:$0x1];
	p0 =	sne.s32 s2, $0x0  }
0x46: {  	s3 =	rddreg [dreg:$0x2];
	[bflag:$0x3] =	sbarrier.arrive $0xFFFF;
	s2 =	simm.s32 @!p0 $0x1C01  }
0x47: {  	[timem:s3], [sflag:s2] =	dma.local @!p0 [hbm:s0], s1  }
0x48: {  	s0 =	simm.s32 @!p0 $0x1  }
0x49: {  	_ =	swait.ge @!p0 [sflag:s0], s1  }
0x4a: {  	s1 =	ssub.s32 @!p0 $0x0, s1;
	[sflag:s0] =	ssyncset.done @!p0 $0x0  }
0x4b: {  	[sflag:s0] =	ssyncadd.s32 @!p0 s1  }
0x4c: {  	[bflag:$0x3] =	sbarrier.arrive $0xFFFF  }
0x4d: {  	_ =	shalt  }

</sc_bundles>
